<compile_context>
chip_gen: v7x
topology: tpu7x:2x2x1
jax: 0.10.2.dev20260603
libtpu: 0.0.44.dev20260713+nightly
codegen_flags: <defaults>
</compile_context>

<pallas_src>
import jax
import jax.numpy as jnp
from jax import lax
from jax.experimental import pallas as pl
from jax.experimental.pallas import tpu as pltpu
from jax.experimental.pallas import tpu_sc as plsc

K = 256
G = 2048
X0 = -8.0
X1 = 8.0
H = (X1 - X0) / (G - 1)
INV_H = 1.0 / H
GR = G // 128
KU = 15

NC, NS, L = 2, 16, 16
NW = NC * NS


def _tab_body(lev_ref, beta_ref, tab_ref):
    beta = beta_ref[0]
    l0 = lev_ref[0]
    gidx = (lax.broadcasted_iota(jnp.int32, (GR, 128), 0) * 128
            + lax.broadcasted_iota(jnp.int32, (GR, 128), 1))
    xg = X0 + H * gidx.astype(jnp.float32)

    def body(j, acc):
        for u in range(KU):
            k = j * KU + u
            lk = lev_ref[k]
            lk1 = lev_ref[k + 1]
            w = lk1 - lk
            b = 0.5 * (lk1 + lk)
            acc = acc + w * jax.nn.sigmoid(beta * (xg - b))
        return acc

    init = jnp.full((GR, 128), l0, jnp.float32)
    tab_ref[...] = lax.fori_loop(0, (K - 1) // KU, body, init)


def _make_sc_lookup(b_dim, r_dim, c_dim):
    rows_w = (b_dim * r_dim) // NW
    cv = c_dim // L
    VU = 4
    qpr = cv // VU
    w_per_b = r_dim // rows_w
    mesh = plsc.VectorSubcoreMesh(core_axis_name="c", subcore_axis_name="s",
                                  num_cores=NC, num_subcores=NS)
    hr = (rows_w // 2 + 7) // 8 * 8
    hr2 = rows_w - hr

    def _sc_body(x_hbm, tab_hbm, out_hbm, tab_v, x_v, y_v, shared_tab,
                 xsem0, xsem1, ysem):
        sid = lax.axis_index("s")
        wid = lax.axis_index("c") * NS + sid
        b = wid // w_per_b
        r0 = (wid % w_per_b) * rows_w

        xcopy0 = pltpu.make_async_copy(
            x_hbm.at[b, pl.ds(r0, hr), :], x_v.at[pl.ds(0, hr), :], xsem0)
        xcopy0.start()
        xcopy1 = pltpu.make_async_copy(
            x_hbm.at[b, pl.ds(r0 + hr, hr2), :], x_v.at[pl.ds(hr, hr2), :], xsem1)
        xcopy1.start()

        @pl.when(sid == 0)
        def _():
            pltpu.sync_copy(tab_hbm, shared_tab)
        plsc.subcore_barrier()
        pltpu.sync_copy(shared_tab, tab_v)

        def make_body(lo):
            def body(q):
                r = lo + q // qpr
                c0 = (q % qpr) * (VU * L)
                for j in range(VU):
                    o = c0 + j * L
                    xv = x_v[r, pl.ds(o, L)]
                    t = (jnp.clip(xv, X0, X1) - X0) * INV_H
                    idx = jnp.minimum(t.astype(jnp.int32), G - 2)
                    fr = t - idx.astype(jnp.float32)
                    y0 = plsc.load_gather(tab_v, [idx])
                    y1 = plsc.load_gather(tab_v, [idx + 1])
                    y_v[r, pl.ds(o, L)] = y0 + fr * (y1 - y0)
            return body

        xcopy0.wait()
        plsc.parallel_loop(0, hr * qpr, unroll=2)(make_body(0))
        ycopy0 = pltpu.make_async_copy(
            y_v.at[pl.ds(0, hr), :], out_hbm.at[b, pl.ds(r0, hr), :], ysem)
        ycopy0.start()
        xcopy1.wait()
        plsc.parallel_loop(0, hr2 * qpr, unroll=2)(make_body(hr))
        ycopy0.wait()
        pltpu.sync_copy(y_v.at[pl.ds(hr, hr2), :],
                        out_hbm.at[b, pl.ds(r0 + hr, hr2), :])

    return pl.kernel(
        _sc_body,
        out_type=jax.ShapeDtypeStruct((b_dim, r_dim, c_dim), jnp.float32),
        mesh=mesh,
        scratch_types=[
            pltpu.VMEM((G,), jnp.float32),
            pltpu.VMEM((rows_w, c_dim), jnp.float32),
            pltpu.VMEM((rows_w, c_dim), jnp.float32),
            pltpu.VMEM_SHARED((G,), jnp.float32),
            pltpu.SemaphoreType.DMA,
            pltpu.SemaphoreType.DMA,
            pltpu.SemaphoreType.DMA,
        ],
        compiler_params=pltpu.CompilerParams(needs_layout_passes=False),
    )


def kernel(x, levels, beta):
    beta_arr = jnp.reshape(beta, (1,)).astype(jnp.float32)
    tab2d = pl.pallas_call(
        _tab_body,
        out_shape=jax.ShapeDtypeStruct((GR, 128), jnp.float32),
        in_specs=[pl.BlockSpec(memory_space=pltpu.SMEM),
                  pl.BlockSpec(memory_space=pltpu.SMEM)],
        out_specs=pl.BlockSpec(memory_space=pltpu.VMEM),
    )(levels, beta_arr)
    tab = tab2d.reshape(G)

    xt = jnp.transpose(x, (0, 2, 1))
    b_dim, r_dim, c_dim = xt.shape
    yt = _make_sc_lookup(b_dim, r_dim, c_dim)(xt, tab)
    return jnp.transpose(yt, (0, 2, 1))

# --- scband reference (transcript-rebuilt; emitter-appended) ---
"""Pipeline reference for scband-entropy-model-so-s-61589831024666 (READ-ONLY COPY).

The authoritative reference and input builder live on the scoring server;
editing this copy changes nothing except your own understanding.
"""

import jax, jax.numpy as jnp
import numpy as np

K = 256  # number of SoS quantization levels (self.sos.unique_values)


def setup_inputs(seed: int = 0) -> dict:
    key = jax.random.key(seed)
    k1, k2 = jax.random.split(key)
    # latent tensor to be (soft-)quantized by the entropy model, B x HW x C
    x = jax.random.normal(k1, (4, 576, 192), dtype=jnp.float32)
    # learned quantization levels of the sum-of-sigmoids (SoS) quantizer; must be sorted
    levels = jnp.sort(jax.random.normal(k2, (K,), dtype=jnp.float32) * 2.0)
    # sigmoid sharpness (annealing temperature) of the SoS quantizer
    beta = jnp.asarray(10.0, dtype=jnp.float32)
    return {"x": x, "levels": levels, "beta": beta}


def reference(x, levels, beta):
    """Training-mode forward of EntropyModelSoS.quantize: soft quantization via
    a sum of sigmoids. y(x) = levels[0] + sum_k (levels[k]-levels[k-1]) *
    sigmoid(beta * (x - midpoint_k)). As beta -> inf this converges to hard
    nearest-level quantization; during training it is smooth and differentiable.
    """
    beta = jnp.reshape(beta, ())
    w = levels[1:] - levels[:-1]              # [K-1] step heights
    b = 0.5 * (levels[1:] + levels[:-1])      # [K-1] step midpoints
    # [B, HW, C, K-1] broadcasted sigmoid bank: the compute-heavy core
    sig = jax.nn.sigmoid(beta * (x[..., None] - b))
    y = levels[0] + jnp.sum(w * sig, axis=-1)
    return y

if __name__ == "__main__":
    import jax
    _d = setup_inputs()
    print(jax.jit(kernel)(*tuple(_d.values())))

</pallas_src>

<mosaic_0001>
#map = affine_map<(d0, d1) -> (0, 0, 0)>
#map1 = affine_map<(d0, d1) -> (0)>
module attributes {stable_mosaic.version = 14 : i64} {
  func.func @_sc_body(%arg0: i32, %arg1: i32, %arg2: memref<4x192x576xf32, #tpu.memory_space<hbm>>, %arg3: memref<2048xf32, #tpu.memory_space<hbm>>, %arg4: memref<4x192x576xf32, #tpu.memory_space<hbm>>, %arg5: memref<2048xf32, #tpu.memory_space<vmem>>, %arg6: memref<24x576xf32, #tpu.memory_space<vmem>>, %arg7: memref<24x576xf32, #tpu.memory_space<vmem>>, %arg8: memref<2048xf32, #tpu.memory_space<vmem_shared>>, %arg9: memref<!tpu.dma_semaphore, #tpu.memory_space<semaphore_mem>>, %arg10: memref<!tpu.dma_semaphore, #tpu.memory_space<semaphore_mem>>, %arg11: memref<!tpu.dma_semaphore, #tpu.memory_space<semaphore_mem>>) attributes {dimension_semantics = [#tpu.dimension_semantics<core_parallel>, #tpu.dimension_semantics<subcore_parallel>], iteration_bounds = array<i64: 2, 16>, scalar_prefetch = 0 : i64, scratch_operands = 7 : i64, tpu.core_type = #tpu.core_type<sc_vector_subcore>, window_params = [{transform_indices = #map}, {transform_indices = #map1}, {transform_indices = #map}]} {
    %mul3A = arith.constant 16 : i32
    %mul3A_0 = arith.muli %arg0, %mul3A : i32
    %add3A = arith.addi %mul3A_0, %arg1 : i32
    %jit3A = arith.constant 8 : i32
    %div3A = arith.divsi %add3A, %jit3A : i32
    %sign3A = arith.constant 0 : i32
    %sign3A_1 = arith.cmpi sgt, %add3A, %sign3A : i32
    %sign3A_2 = arith.extui %sign3A_1 : i1 to i32
    %sign3A_3 = arith.constant 0 : i32
    %sign3A_4 = arith.cmpi slt, %add3A, %sign3A_3 : i32
    %sign3A_5 = arith.extui %sign3A_4 : i1 to i32
    %sign3A_6 = arith.subi %sign3A_2, %sign3A_5 : i32
    %sign3A_7 = arith.constant 0 : i32
    %sign3A_8 = arith.cmpi sgt, %jit3A, %sign3A_7 : i32
    %sign3A_9 = arith.extui %sign3A_8 : i1 to i32
    %sign3A_10 = arith.constant 0 : i32
    %sign3A_11 = arith.cmpi slt, %jit3A, %sign3A_10 : i32
    %sign3A_12 = arith.extui %sign3A_11 : i1 to i32
    %sign3A_13 = arith.subi %sign3A_9, %sign3A_12 : i32
    %ne3A = arith.cmpi ne, %sign3A_6, %sign3A_13 : i32
    %rem3A = arith.remsi %add3A, %jit3A : i32
    %ne3A_14 = arith.constant 0 : i32
    %ne3A_15 = arith.cmpi ne, %rem3A, %ne3A_14 : i32
    %and3A = arith.andi %ne3A, %ne3A_15 : i1
    %sub3A = arith.constant 1 : i32
    %sub3A_16 = arith.subi %div3A, %sub3A : i32
    %select_n3A = arith.select %and3A, %sub3A_16, %div3A : i32
    %jit3A_17 = arith.constant 8 : i32
    %eq3A = arith.constant 0 : i32
    %eq3A_18 = arith.cmpi eq, %jit3A_17, %eq3A : i32
    %jit3A_19 = arith.constant 1 : i32
    %select_n3A_20 = arith.select %eq3A_18, %jit3A_19, %jit3A_17 : i32
    %rem3A_21 = arith.remsi %add3A, %select_n3A_20 : i32
    %ne3A_22 = arith.constant 0 : i32
    %ne3A_23 = arith.cmpi ne, %rem3A_21, %ne3A_22 : i32
    %lt3A = arith.constant 0 : i32
    %lt3A_24 = arith.cmpi slt, %rem3A_21, %lt3A : i32
    %lt3A_25 = arith.constant 0 : i32
    %lt3A_26 = arith.cmpi slt, %select_n3A_20, %lt3A_25 : i32
    %ne3A_27 = arith.xori %lt3A_24, %lt3A_26 : i1
    %and3A_28 = arith.andi %ne3A_27, %ne3A_23 : i1
    %add3A_29 = arith.addi %rem3A_21, %select_n3A_20 : i32
    %select_n3A_30 = arith.select %and3A_28, %add3A_29, %rem3A_21 : i32
    %mul3A_31 = arith.constant 24 : i32
    %mul3A_32 = arith.muli %select_n3A_30, %mul3A_31 : i32
    %dma_start3A = arith.constant 0 : i32
    %dma_start3A_33 = arith.constant 0 : i32
    %dma_start3A_34 = tpu.memref_slice %arg6[%dma_start3A, %dma_start3A_33] : memref<24x576xf32, #tpu.memory_space<vmem>> -> memref<16x576xf32, #tpu.memory_space<vmem>>
    %dma_start3A_35 = arith.constant 0 : i32
    %dma_start3A_36 = tpu.memref_slice %arg2[%select_n3A, %mul3A_32, %dma_start3A_35] : memref<4x192x576xf32, #tpu.memory_space<hbm>> -> memref<1x16x576xf32, #tpu.memory_space<hbm>>
    %dma_start3A_37 = tpu.memref_squeeze %dma_start3A_36 : memref<1x16x576xf32, #tpu.memory_space<hbm>> -> memref<16x576xf32, #tpu.memory_space<hbm>>
    %dma_start3A_38 = arith.constant 0 : i32
    %dma_start3A_39 = arith.constant 0 : i32
    %dma_start3A_40 = tpu.memref_slice %arg6[%dma_start3A_38, %dma_start3A_39] : memref<24x576xf32, #tpu.memory_space<vmem>> -> memref<16x576xf32, #tpu.memory_space<vmem>>
    %dma_start3A_41 = arith.constant 0 : i32
    %dma_start3A_42 = tpu.memref_slice %arg2[%select_n3A, %mul3A_32, %dma_start3A_41] : memref<4x192x576xf32, #tpu.memory_space<hbm>> -> memref<1x16x576xf32, #tpu.memory_space<hbm>>
    %dma_start3A_43 = tpu.memref_squeeze %dma_start3A_42 : memref<1x16x576xf32, #tpu.memory_space<hbm>> -> memref<16x576xf32, #tpu.memory_space<hbm>>
    tpu.enqueue_dma source(%dma_start3A_43 : memref<16x576xf32, #tpu.memory_space<hbm>>) target(%dma_start3A_40 : memref<16x576xf32, #tpu.memory_space<vmem>>) target_semaphore(%arg9 : memref<!tpu.dma_semaphore, #tpu.memory_space<semaphore_mem>>)
    %add3A_44 = arith.constant 16 : i32
    %add3A_45 = arith.addi %mul3A_32, %add3A_44 : i32
    %dma_start3A_46 = arith.constant 16 : i32
    %dma_start3A_47 = arith.constant 0 : i32
    %dma_start3A_48 = tpu.memref_slice %arg6[%dma_start3A_46, %dma_start3A_47] : memref<24x576xf32, #tpu.memory_space<vmem>> -> memref<8x576xf32, #tpu.memory_space<vmem>>
    %dma_start3A_49 = arith.constant 0 : i32
    %dma_start3A_50 = tpu.memref_slice %arg2[%select_n3A, %add3A_45, %dma_start3A_49] : memref<4x192x576xf32, #tpu.memory_space<hbm>> -> memref<1x8x576xf32, #tpu.memory_space<hbm>>
    %dma_start3A_51 = tpu.memref_squeeze %dma_start3A_50 : memref<1x8x576xf32, #tpu.memory_space<hbm>> -> memref<8x576xf32, #tpu.memory_space<hbm>>
    %dma_start3A_52 = arith.constant 16 : i32
    %dma_start3A_53 = arith.constant 0 : i32
    %dma_start3A_54 = tpu.memref_slice %arg6[%dma_start3A_52, %dma_start3A_53] : memref<24x576xf32, #tpu.memory_space<vmem>> -> memref<8x576xf32, #tpu.memory_space<vmem>>
    %dma_start3A_55 = arith.constant 0 : i32
    %dma_start3A_56 = tpu.memref_slice %arg2[%select_n3A, %add3A_45, %dma_start3A_55] : memref<4x192x576xf32, #tpu.memory_space<hbm>> -> memref<1x8x576xf32, #tpu.memory_space<hbm>>
    %dma_start3A_57 = tpu.memref_squeeze %dma_start3A_56 : memref<1x8x576xf32, #tpu.memory_space<hbm>> -> memref<8x576xf32, #tpu.memory_space<hbm>>
    tpu.enqueue_dma source(%dma_start3A_57 : memref<8x576xf32, #tpu.memory_space<hbm>>) target(%dma_start3A_54 : memref<8x576xf32, #tpu.memory_space<vmem>>) target_semaphore(%arg10 : memref<!tpu.dma_semaphore, #tpu.memory_space<semaphore_mem>>)
    %eq3A_58 = arith.constant 0 : i32
    %eq3A_59 = arith.cmpi eq, %arg1, %eq3A_58 : i32
    %convert_element_type3A = arith.extui %eq3A_59 : i1 to i32
    %cond3A = arith.constant 0 : i32
    %cond3A_60 = arith.cmpi ne, %convert_element_type3A, %cond3A : i32
    scf.if %cond3A_60 {
      "tpu.region"() ({
        %run_scoped3A = tpu.sem_alloc : memref<!tpu.dma_semaphore, #tpu.memory_space<semaphore_mem>>
        tpu.enqueue_dma source(%arg3 : memref<2048xf32, #tpu.memory_space<hbm>>) target(%arg8 : memref<2048xf32, #tpu.memory_space<vmem_shared>>) target_semaphore(%run_scoped3A : memref<!tpu.dma_semaphore, #tpu.memory_space<semaphore_mem>>)
        tpu.wait_dma2 semaphore(%run_scoped3A : memref<!tpu.dma_semaphore, #tpu.memory_space<semaphore_mem>>) src(%arg3 : memref<2048xf32, #tpu.memory_space<hbm>>) dst(%arg8 : memref<2048xf32, #tpu.memory_space<vmem_shared>>)
        tpu.yield
      }) : () -> ()
    } else {
    }
    %barrier3A = arith.constant 0 : index
    tpu.barrier barrier_id(%barrier3A)
    "tpu.region"() ({
      %run_scoped3A = tpu.sem_alloc : memref<!tpu.dma_semaphore, #tpu.memory_space<semaphore_mem>>
      tpu.enqueue_dma source(%arg8 : memref<2048xf32, #tpu.memory_space<vmem_shared>>) target(%arg5 : memref<2048xf32, #tpu.memory_space<vmem>>) target_semaphore(%run_scoped3A : memref<!tpu.dma_semaphore, #tpu.memory_space<semaphore_mem>>)
      tpu.wait_dma2 semaphore(%run_scoped3A : memref<!tpu.dma_semaphore, #tpu.memory_space<semaphore_mem>>) src(%arg8 : memref<2048xf32, #tpu.memory_space<vmem_shared>>) dst(%arg5 : memref<2048xf32, #tpu.memory_space<vmem>>)
      tpu.yield
    }) : () -> ()
    %dma_wait3A = arith.constant 0 : i32
    %dma_wait3A_61 = arith.constant 0 : i32
    %dma_wait3A_62 = tpu.memref_slice %arg6[%dma_wait3A, %dma_wait3A_61] : memref<24x576xf32, #tpu.memory_space<vmem>> -> memref<16x576xf32, #tpu.memory_space<vmem>>
    %dma_wait3A_63 = arith.constant 0 : i32
    %dma_wait3A_64 = tpu.memref_slice %arg2[%select_n3A, %mul3A_32, %dma_wait3A_63] : memref<4x192x576xf32, #tpu.memory_space<hbm>> -> memref<1x16x576xf32, #tpu.memory_space<hbm>>
    %dma_wait3A_65 = tpu.memref_squeeze %dma_wait3A_64 : memref<1x16x576xf32, #tpu.memory_space<hbm>> -> memref<16x576xf32, #tpu.memory_space<hbm>>
    %dma_wait3A_66 = arith.constant 0 : i32
    %dma_wait3A_67 = arith.constant 0 : i32
    %dma_wait3A_68 = tpu.memref_slice %arg6[%dma_wait3A_66, %dma_wait3A_67] : memref<24x576xf32, #tpu.memory_space<vmem>> -> memref<16x576xf32, #tpu.memory_space<vmem>>
    %dma_wait3A_69 = arith.constant 0 : i32
    %dma_wait3A_70 = tpu.memref_slice %arg2[%select_n3A, %mul3A_32, %dma_wait3A_69] : memref<4x192x576xf32, #tpu.memory_space<hbm>> -> memref<1x16x576xf32, #tpu.memory_space<hbm>>
    %dma_wait3A_71 = tpu.memref_squeeze %dma_wait3A_70 : memref<1x16x576xf32, #tpu.memory_space<hbm>> -> memref<16x576xf32, #tpu.memory_space<hbm>>
    tpu.wait_dma2 semaphore(%arg9 : memref<!tpu.dma_semaphore, #tpu.memory_space<semaphore_mem>>) src(%dma_wait3A_71 : memref<16x576xf32, #tpu.memory_space<hbm>>) dst(%dma_wait3A_68 : memref<16x576xf32, #tpu.memory_space<vmem>>)
    %parallel_loop3A = arith.constant 0 : i32
    %parallel_loop3A_72 = arith.constant 144 : i32
    %parallel_loop3A_73 = arith.constant 1 : i32
    scf.for %parallel_loop3A_115 = %parallel_loop3A to %parallel_loop3A_72 step %parallel_loop3A_73  : i32 {
      %parallel_loop3A_116 = arith.constant 9 : i32
      %parallel_loop3A_117 = arith.divsi %parallel_loop3A_115, %parallel_loop3A_116 : i32
      %parallel_loop3A_118 = arith.constant 0 : i32
      %parallel_loop3A_119 = arith.cmpi sgt, %parallel_loop3A_115, %parallel_loop3A_118 : i32
      %parallel_loop3A_120 = arith.extui %parallel_loop3A_119 : i1 to i32
      %parallel_loop3A_121 = arith.constant 0 : i32
      %parallel_loop3A_122 = arith.cmpi slt, %parallel_loop3A_115, %parallel_loop3A_121 : i32
      %parallel_loop3A_123 = arith.extui %parallel_loop3A_122 : i1 to i32
      %parallel_loop3A_124 = arith.subi %parallel_loop3A_120, %parallel_loop3A_123 : i32
      %parallel_loop3A_125 = arith.constant 0 : i32
      %parallel_loop3A_126 = arith.cmpi sgt, %parallel_loop3A_116, %parallel_loop3A_125 : i32
      %parallel_loop3A_127 = arith.extui %parallel_loop3A_126 : i1 to i32
      %parallel_loop3A_128 = arith.constant 0 : i32
      %parallel_loop3A_129 = arith.cmpi slt, %parallel_loop3A_116, %parallel_loop3A_128 : i32
      %parallel_loop3A_130 = arith.extui %parallel_loop3A_129 : i1 to i32
      %parallel_loop3A_131 = arith.subi %parallel_loop3A_127, %parallel_loop3A_130 : i32
      %parallel_loop3A_132 = arith.cmpi ne, %parallel_loop3A_124, %parallel_loop3A_131 : i32
      %parallel_loop3A_133 = arith.remsi %parallel_loop3A_115, %parallel_loop3A_116 : i32
      %parallel_loop3A_134 = arith.constant 0 : i32
      %parallel_loop3A_135 = arith.cmpi ne, %parallel_loop3A_133, %parallel_loop3A_134 : i32
      %parallel_loop3A_136 = arith.andi %parallel_loop3A_132, %parallel_loop3A_135 : i1
      %parallel_loop3A_137 = arith.constant 1 : i32
      %parallel_loop3A_138 = arith.subi %parallel_loop3A_117, %parallel_loop3A_137 : i32
      %parallel_loop3A_139 = arith.select %parallel_loop3A_136, %parallel_loop3A_138, %parallel_loop3A_117 : i32
      %parallel_loop3A_140 = arith.constant 0 : i32
      %parallel_loop3A_141 = arith.addi %parallel_loop3A_140, %parallel_loop3A_139 : i32
      %parallel_loop3A_142 = arith.constant 9 : i32
      %parallel_loop3A_143 = arith.constant 0 : i32
      %parallel_loop3A_144 = arith.cmpi eq, %parallel_loop3A_142, %parallel_loop3A_143 : i32
      %parallel_loop3A_145 = arith.constant 1 : i32
      %parallel_loop3A_146 = arith.select %parallel_loop3A_144, %parallel_loop3A_145, %parallel_loop3A_142 : i32
      %parallel_loop3A_147 = arith.remsi %parallel_loop3A_115, %parallel_loop3A_146 : i32
      %parallel_loop3A_148 = arith.constant 0 : i32
      %parallel_loop3A_149 = arith.cmpi ne, %parallel_loop3A_147, %parallel_loop3A_148 : i32
      %parallel_loop3A_150 = arith.constant 0 : i32
      %parallel_loop3A_151 = arith.cmpi slt, %parallel_loop3A_147, %parallel_loop3A_150 : i32
      %parallel_loop3A_152 = arith.constant 0 : i32
      %parallel_loop3A_153 = arith.cmpi slt, %parallel_loop3A_146, %parallel_loop3A_152 : i32
      %parallel_loop3A_154 = arith.xori %parallel_loop3A_151, %parallel_loop3A_153 : i1
      %parallel_loop3A_155 = arith.andi %parallel_loop3A_154, %parallel_loop3A_149 : i1
      %parallel_loop3A_156 = arith.addi %parallel_loop3A_147, %parallel_loop3A_146 : i32
      %parallel_loop3A_157 = arith.select %parallel_loop3A_155, %parallel_loop3A_156, %parallel_loop3A_147 : i32
      %parallel_loop3A_158 = arith.constant 64 : i32
      %parallel_loop3A_159 = arith.muli %parallel_loop3A_157, %parallel_loop3A_158 : i32
      %parallel_loop3A_160 = arith.constant 0 : i32
      %parallel_loop3A_161 = arith.addi %parallel_loop3A_159, %parallel_loop3A_160 : i32
      %parallel_loop3A_162 = arith.index_cast %parallel_loop3A_141 : i32 to index
      %parallel_loop3A_163 = arith.index_cast %parallel_loop3A_161 : i32 to index
      %parallel_loop3A_164 = tpu.vector_load %arg6[%parallel_loop3A_162, %parallel_loop3A_163] {strides = array<i32>} : memref<24x576xf32, #tpu.memory_space<vmem>>, vector<16xf32>,
      %parallel_loop3A_165 = arith.constant -8.000000e+00 : f32
      %parallel_loop3A_166 = arith.constant 8.000000e+00 : f32
      %parallel_loop3A_167 = vector.broadcast %parallel_loop3A_165 : f32 to vector<16xf32>
      %parallel_loop3A_168 = arith.maximumf %parallel_loop3A_167, %parallel_loop3A_164 : vector<16xf32>
      %parallel_loop3A_169 = vector.broadcast %parallel_loop3A_166 : f32 to vector<16xf32>
      %parallel_loop3A_170 = arith.minimumf %parallel_loop3A_169, %parallel_loop3A_168 : vector<16xf32>
      %parallel_loop3A_171 = arith.constant -8.000000e+00 : f32
      %parallel_loop3A_172 = vector.broadcast %parallel_loop3A_171 : f32 to vector<16xf32>
      %parallel_loop3A_173 = arith.subf %parallel_loop3A_170, %parallel_loop3A_172 : vector<16xf32>
      %parallel_loop3A_174 = arith.constant 127.9375 : f32
      %parallel_loop3A_175 = vector.broadcast %parallel_loop3A_174 : f32 to vector<16xf32>
      %parallel_loop3A_176 = arith.mulf %parallel_loop3A_173, %parallel_loop3A_175 : vector<16xf32>
      %parallel_loop3A_177 = arith.fptosi %parallel_loop3A_176 : vector<16xf32> to vector<16xi32>
      %parallel_loop3A_178 = arith.constant 2046 : i32
      %parallel_loop3A_179 = vector.broadcast %parallel_loop3A_178 : i32 to vector<16xi32>
      %parallel_loop3A_180 = arith.minsi %parallel_loop3A_177, %parallel_loop3A_179 : vector<16xi32>
      %parallel_loop3A_181 = arith.sitofp %parallel_loop3A_180 : vector<16xi32> to vector<16xf32>
      %parallel_loop3A_182 = arith.subf %parallel_loop3A_176, %parallel_loop3A_181 : vector<16xf32>
      %parallel_loop3A_183 = tpu.vector_load_idx %arg5[%parallel_loop3A_180] : memref<2048xf32, #tpu.memory_space<vmem>>[vector<16xi32>], vector<16xf32>,
      %parallel_loop3A_184 = arith.constant 1 : i32
      %parallel_loop3A_185 = vector.broadcast %parallel_loop3A_184 : i32 to vector<16xi32>
      %parallel_loop3A_186 = arith.addi %parallel_loop3A_180, %parallel_loop3A_185 : vector<16xi32>
      %parallel_loop3A_187 = tpu.vector_load_idx %arg5[%parallel_loop3A_186] : memref<2048xf32, #tpu.memory_space<vmem>>[vector<16xi32>], vector<16xf32>,
      %parallel_loop3A_188 = arith.subf %parallel_loop3A_187, %parallel_loop3A_183 : vector<16xf32>
      %parallel_loop3A_189 = arith.mulf %parallel_loop3A_182, %parallel_loop3A_188 : vector<16xf32>
      %parallel_loop3A_190 = arith.addf %parallel_loop3A_183, %parallel_loop3A_189 : vector<16xf32>
      %parallel_loop3A_191 = arith.index_cast %parallel_loop3A_141 : i32 to index
      %parallel_loop3A_192 = arith.index_cast %parallel_loop3A_161 : i32 to index
      %parallel_loop3A_193 = tpu.vector_load %arg7[%parallel_loop3A_191, %parallel_loop3A_192] {strides = array<i32>} : memref<24x576xf32, #tpu.memory_space<vmem>>, vector<16xf32>,
      tpu.vector_store %arg7[%parallel_loop3A_191, %parallel_loop3A_192], %parallel_loop3A_190 {strides = array<i32>} : memref<24x576xf32, #tpu.memory_space<vmem>>, vector<16xf32>,
      %parallel_loop3A_194 = arith.constant 16 : i32
      %parallel_loop3A_195 = arith.addi %parallel_loop3A_159, %parallel_loop3A_194 : i32
      %parallel_loop3A_196 = arith.index_cast %parallel_loop3A_141 : i32 to index
      %parallel_loop3A_197 = arith.index_cast %parallel_loop3A_195 : i32 to index
      %parallel_loop3A_198 = tpu.vector_load %arg6[%parallel_loop3A_196, %parallel_loop3A_197] {strides = array<i32>} : memref<24x576xf32, #tpu.memory_space<vmem>>, vector<16xf32>,
      %parallel_loop3A_199 = arith.constant -8.000000e+00 : f32
      %parallel_loop3A_200 = arith.constant 8.000000e+00 : f32
      %parallel_loop3A_201 = vector.broadcast %parallel_loop3A_199 : f32 to vector<16xf32>
      %parallel_loop3A_202 = arith.maximumf %parallel_loop3A_201, %parallel_loop3A_198 : vector<16xf32>
      %parallel_loop3A_203 = vector.broadcast %parallel_loop3A_200 : f32 to vector<16xf32>
      %parallel_loop3A_204 = arith.minimumf %parallel_loop3A_203, %parallel_loop3A_202 : vector<16xf32>
      %parallel_loop3A_205 = arith.constant -8.000000e+00 : f32
      %parallel_loop3A_206 = vector.broadcast %parallel_loop3A_205 : f32 to vector<16xf32>
      %parallel_loop3A_207 = arith.subf %parallel_loop3A_204, %parallel_loop3A_206 : vector<16xf32>
      %parallel_loop3A_208 = arith.constant 127.9375 : f32
      %parallel_loop3A_209 = vector.broadcast %parallel_loop3A_208 : f32 to vector<16xf32>
      %parallel_loop3A_210 = arith.mulf %parallel_loop3A_207, %parallel_loop3A_209 : vector<16xf32>
      %parallel_loop3A_211 = arith.fptosi %parallel_loop3A_210 : vector<16xf32> to vector<16xi32>
      %parallel_loop3A_212 = arith.constant 2046 : i32
      %parallel_loop3A_213 = vector.broadcast %parallel_loop3A_212 : i32 to vector<16xi32>
      %parallel_loop3A_214 = arith.minsi %parallel_loop3A_211, %parallel_loop3A_213 : vector<16xi32>
      %parallel_loop3A_215 = arith.sitofp %parallel_loop3A_214 : vector<16xi32> to vector<16xf32>
      %parallel_loop3A_216 = arith.subf %parallel_loop3A_210, %parallel_loop3A_215 : vector<16xf32>
      %parallel_loop3A_217 = tpu.vector_load_idx %arg5[%parallel_loop3A_214] : memref<2048xf32, #tpu.memory_space<vmem>>[vector<16xi32>], vector<16xf32>,
      %parallel_loop3A_218 = arith.constant 1 : i32
      %parallel_loop3A_219 = vector.broadcast %parallel_loop3A_218 : i32 to vector<16xi32>
      %parallel_loop3A_220 = arith.addi %parallel_loop3A_214, %parallel_loop3A_219 : vector<16xi32>
      %parallel_loop3A_221 = tpu.vector_load_idx %arg5[%parallel_loop3A_220] : memref<2048xf32, #tpu.memory_space<vmem>>[vector<16xi32>], vector<16xf32>,
      %parallel_loop3A_222 = arith.subf %parallel_loop3A_221, %parallel_loop3A_217 : vector<16xf32>
      %parallel_loop3A_223 = arith.mulf %parallel_loop3A_216, %parallel_loop3A_222 : vector<16xf32>
      %parallel_loop3A_224 = arith.addf %parallel_loop3A_217, %parallel_loop3A_223 : vector<16xf32>
      %parallel_loop3A_225 = arith.index_cast %parallel_loop3A_141 : i32 to index
      %parallel_loop3A_226 = arith.index_cast %parallel_loop3A_195 : i32 to index
      %parallel_loop3A_227 = tpu.vector_load %arg7[%parallel_loop3A_225, %parallel_loop3A_226] {strides = array<i32>} : memref<24x576xf32, #tpu.memory_space<vmem>>, vector<16xf32>,
      tpu.vector_store %arg7[%parallel_loop3A_225, %parallel_loop3A_226], %parallel_loop3A_224 {strides = array<i32>} : memref<24x576xf32, #tpu.memory_space<vmem>>, vector<16xf32>,
      %parallel_loop3A_228 = arith.constant 32 : i32
      %parallel_loop3A_229 = arith.addi %parallel_loop3A_159, %parallel_loop3A_228 : i32
      %parallel_loop3A_230 = arith.index_cast %parallel_loop3A_141 : i32 to index
      %parallel_loop3A_231 = arith.index_cast %parallel_loop3A_229 : i32 to index
      %parallel_loop3A_232 = tpu.vector_load %arg6[%parallel_loop3A_230, %parallel_loop3A_231] {strides = array<i32>} : memref<24x576xf32, #tpu.memory_space<vmem>>, vector<16xf32>,
      %parallel_loop3A_233 = arith.constant -8.000000e+00 : f32
      %parallel_loop3A_234 = arith.constant 8.000000e+00 : f32
      %parallel_loop3A_235 = vector.broadcast %parallel_loop3A_233 : f32 to vector<16xf32>
      %parallel_loop3A_236 = arith.maximumf %parallel_loop3A_235, %parallel_loop3A_232 : vector<16xf32>
      %parallel_loop3A_237 = vector.broadcast %parallel_loop3A_234 : f32 to vector<16xf32>
      %parallel_loop3A_238 = arith.minimumf %parallel_loop3A_237, %parallel_loop3A_236 : vector<16xf32>
      %parallel_loop3A_239 = arith.constant -8.000000e+00 : f32
      %parallel_loop3A_240 = vector.broadcast %parallel_loop3A_239 : f32 to vector<16xf32>
      %parallel_loop3A_241 = arith.subf %parallel_loop3A_238, %parallel_loop3A_240 : vector<16xf32>
      %parallel_loop3A_242 = arith.constant 127.9375 : f32
      %parallel_loop3A_243 = vector.broadcast %parallel_loop3A_242 : f32 to vector<16xf32>
      %parallel_loop3A_244 = arith.mulf %parallel_loop3A_241, %parallel_loop3A_243 : vector<16xf32>
      %parallel_loop3A_245 = arith.fptosi %parallel_loop3A_244 : vector<16xf32> to vector<16xi32>
      %parallel_loop3A_246 = arith.constant 2046 : i32
      %parallel_loop3A_247 = vector.broadcast %parallel_loop3A_246 : i32 to vector<16xi32>
      %parallel_loop3A_248 = arith.minsi %parallel_loop3A_245, %parallel_loop3A_247 : vector<16xi32>
      %parallel_loop3A_249 = arith.sitofp %parallel_loop3A_248 : vector<16xi32> to vector<16xf32>
      %parallel_loop3A_250 = arith.subf %parallel_loop3A_244, %parallel_loop3A_249 : vector<16xf32>
      %parallel_loop3A_251 = tpu.vector_load_idx %arg5[%parallel_loop3A_248] : memref<2048xf32, #tpu.memory_space<vmem>>[vector<16xi32>], vector<16xf32>,
      %parallel_loop3A_252 = arith.constant 1 : i32
      %parallel_loop3A_253 = vector.broadcast %parallel_loop3A_252 : i32 to vector<16xi32>
      %parallel_loop3A_254 = arith.addi %parallel_loop3A_248, %parallel_loop3A_253 : vector<16xi32>
      %parallel_loop3A_255 = tpu.vector_load_idx %arg5[%parallel_loop3A_254] : memref<2048xf32, #tpu.memory_space<vmem>>[vector<16xi32>], vector<16xf32>,
      %parallel_loop3A_256 = arith.subf %parallel_loop3A_255, %parallel_loop3A_251 : vector<16xf32>
      %parallel_loop3A_257 = arith.mulf %parallel_loop3A_250, %parallel_loop3A_256 : vector<16xf32>
      %parallel_loop3A_258 = arith.addf %parallel_loop3A_251, %parallel_loop3A_257 : vector<16xf32>
      %parallel_loop3A_259 = arith.index_cast %parallel_loop3A_141 : i32 to index
      %parallel_loop3A_260 = arith.index_cast %parallel_loop3A_229 : i32 to index
      %parallel_loop3A_261 = tpu.vector_load %arg7[%parallel_loop3A_259, %parallel_loop3A_260] {strides = array<i32>} : memref<24x576xf32, #tpu.memory_space<vmem>>, vector<16xf32>,
      tpu.vector_store %arg7[%parallel_loop3A_259, %parallel_loop3A_260], %parallel_loop3A_258 {strides = array<i32>} : memref<24x576xf32, #tpu.memory_space<vmem>>, vector<16xf32>,
      %parallel_loop3A_262 = arith.constant 48 : i32
      %parallel_loop3A_263 = arith.addi %parallel_loop3A_159, %parallel_loop3A_262 : i32
      %parallel_loop3A_264 = arith.index_cast %parallel_loop3A_141 : i32 to index
      %parallel_loop3A_265 = arith.index_cast %parallel_loop3A_263 : i32 to index
      %parallel_loop3A_266 = tpu.vector_load %arg6[%parallel_loop3A_264, %parallel_loop3A_265] {strides = array<i32>} : memref<24x576xf32, #tpu.memory_space<vmem>>, vector<16xf32>,
      %parallel_loop3A_267 = arith.constant -8.000000e+00 : f32
      %parallel_loop3A_268 = arith.constant 8.000000e+00 : f32
      %parallel_loop3A_269 = vector.broadcast %parallel_loop3A_267 : f32 to vector<16xf32>
      %parallel_loop3A_270 = arith.maximumf %parallel_loop3A_269, %parallel_loop3A_266 : vector<16xf32>
      %parallel_loop3A_271 = vector.broadcast %parallel_loop3A_268 : f32 to vector<16xf32>
      %parallel_loop3A_272 = arith.minimumf %parallel_loop3A_271, %parallel_loop3A_270 : vector<16xf32>
      %parallel_loop3A_273 = arith.constant -8.000000e+00 : f32
      %parallel_loop3A_274 = vector.broadcast %parallel_loop3A_273 : f32 to vector<16xf32>
      %parallel_loop3A_275 = arith.subf %parallel_loop3A_272, %parallel_loop3A_274 : vector<16xf32>
      %parallel_loop3A_276 = arith.constant 127.9375 : f32
      %parallel_loop3A_277 = vector.broadcast %parallel_loop3A_276 : f32 to vector<16xf32>
      %parallel_loop3A_278 = arith.mulf %parallel_loop3A_275, %parallel_loop3A_277 : vector<16xf32>
      %parallel_loop3A_279 = arith.fptosi %parallel_loop3A_278 : vector<16xf32> to vector<16xi32>
      %parallel_loop3A_280 = arith.constant 2046 : i32
      %parallel_loop3A_281 = vector.broadcast %parallel_loop3A_280 : i32 to vector<16xi32>
      %parallel_loop3A_282 = arith.minsi %parallel_loop3A_279, %parallel_loop3A_281 : vector<16xi32>
      %parallel_loop3A_283 = arith.sitofp %parallel_loop3A_282 : vector<16xi32> to vector<16xf32>
      %parallel_loop3A_284 = arith.subf %parallel_loop3A_278, %parallel_loop3A_283 : vector<16xf32>
      %parallel_loop3A_285 = tpu.vector_load_idx %arg5[%parallel_loop3A_282] : memref<2048xf32, #tpu.memory_space<vmem>>[vector<16xi32>], vector<16xf32>,
      %parallel_loop3A_286 = arith.constant 1 : i32
      %parallel_loop3A_287 = vector.broadcast %parallel_loop3A_286 : i32 to vector<16xi32>
      %parallel_loop3A_288 = arith.addi %parallel_loop3A_282, %parallel_loop3A_287 : vector<16xi32>
      %parallel_loop3A_289 = tpu.vector_load_idx %arg5[%parallel_loop3A_288] : memref<2048xf32, #tpu.memory_space<vmem>>[vector<16xi32>], vector<16xf32>,
      %parallel_loop3A_290 = arith.subf %parallel_loop3A_289, %parallel_loop3A_285 : vector<16xf32>
      %parallel_loop3A_291 = arith.mulf %parallel_loop3A_284, %parallel_loop3A_290 : vector<16xf32>
      %parallel_loop3A_292 = arith.addf %parallel_loop3A_285, %parallel_loop3A_291 : vector<16xf32>
      %parallel_loop3A_293 = arith.index_cast %parallel_loop3A_141 : i32 to index
      %parallel_loop3A_294 = arith.index_cast %parallel_loop3A_263 : i32 to index
      %parallel_loop3A_295 = tpu.vector_load %arg7[%parallel_loop3A_293, %parallel_loop3A_294] {strides = array<i32>} : memref<24x576xf32, #tpu.memory_space<vmem>>, vector<16xf32>,
      tpu.vector_store %arg7[%parallel_loop3A_293, %parallel_loop3A_294], %parallel_loop3A_292 {strides = array<i32>} : memref<24x576xf32, #tpu.memory_space<vmem>>, vector<16xf32>,
    } {sc.loop_unroll_factor = 2 : i64, sc.parallel_access}
    %dma_start3A_74 = arith.constant 0 : i32
    %dma_start3A_75 = arith.constant 0 : i32
    %dma_start3A_76 = tpu.memref_slice %arg7[%dma_start3A_74, %dma_start3A_75] : memref<24x576xf32, #tpu.memory_space<vmem>> -> memref<16x576xf32, #tpu.memory_space<vmem>>
    %dma_start3A_77 = arith.constant 0 : i32
    %dma_start3A_78 = tpu.memref_slice %arg4[%select_n3A, %mul3A_32, %dma_start3A_77] : memref<4x192x576xf32, #tpu.memory_space<hbm>> -> memref<1x16x576xf32, #tpu.memory_space<hbm>>
    %dma_start3A_79 = tpu.memref_squeeze %dma_start3A_78 : memref<1x16x576xf32, #tpu.memory_space<hbm>> -> memref<16x576xf32, #tpu.memory_space<hbm>>
    %dma_start3A_80 = arith.constant 0 : i32
    %dma_start3A_81 = tpu.memref_slice %arg4[%select_n3A, %mul3A_32, %dma_start3A_80] : memref<4x192x576xf32, #tpu.memory_space<hbm>> -> memref<1x16x576xf32, #tpu.memory_space<hbm>>
    %dma_start3A_82 = tpu.memref_squeeze %dma_start3A_81 : memref<1x16x576xf32, #tpu.memory_space<hbm>> -> memref<16x576xf32, #tpu.memory_space<hbm>>
    %dma_start3A_83 = arith.constant 0 : i32
    %dma_start3A_84 = arith.constant 0 : i32
    %dma_start3A_85 = tpu.memref_slice %arg7[%dma_start3A_83, %dma_start3A_84] : memref<24x576xf32, #tpu.memory_space<vmem>> -> memref<16x576xf32, #tpu.memory_space<vmem>>
    tpu.enqueue_dma source(%dma_start3A_85 : memref<16x576xf32, #tpu.memory_space<vmem>>) target(%dma_start3A_82 : memref<16x576xf32, #tpu.memory_space<hbm>>) target_semaphore(%arg11 : memref<!tpu.dma_semaphore, #tpu.memory_space<semaphore_mem>>)
    %dma_wait3A_86 = arith.constant 16 : i32
    %dma_wait3A_87 = arith.constant 0 : i32
    %dma_wait3A_88 = tpu.memref_slice %arg6[%dma_wait3A_86, %dma_wait3A_87] : memref<24x576xf32, #tpu.memory_space<vmem>> -> memref<8x576xf32, #tpu.memory_space<vmem>>
    %dma_wait3A_89 = arith.constant 0 : i32
    %dma_wait3A_90 = tpu.memref_slice %arg2[%select_n3A, %add3A_45, %dma_wait3A_89] : memref<4x192x576xf32, #tpu.memory_space<hbm>> -> memref<1x8x576xf32, #tpu.memory_space<hbm>>
    %dma_wait3A_91 = tpu.memref_squeeze %dma_wait3A_90 : memref<1x8x576xf32, #tpu.memory_space<hbm>> -> memref<8x576xf32, #tpu.memory_space<hbm>>
    %dma_wait3A_92 = arith.constant 16 : i32
    %dma_wait3A_93 = arith.constant 0 : i32
    %dma_wait3A_94 = tpu.memref_slice %arg6[%dma_wait3A_92, %dma_wait3A_93] : memref<24x576xf32, #tpu.memory_space<vmem>> -> memref<8x576xf32, #tpu.memory_space<vmem>>
    %dma_wait3A_95 = arith.constant 0 : i32
    %dma_wait3A_96 = tpu.memref_slice %arg2[%select_n3A, %add3A_45, %dma_wait3A_95] : memref<4x192x576xf32, #tpu.memory_space<hbm>> -> memref<1x8x576xf32, #tpu.memory_space<hbm>>
    %dma_wait3A_97 = tpu.memref_squeeze %dma_wait3A_96 : memref<1x8x576xf32, #tpu.memory_space<hbm>> -> memref<8x576xf32, #tpu.memory_space<hbm>>
    tpu.wait_dma2 semaphore(%arg10 : memref<!tpu.dma_semaphore, #tpu.memory_space<semaphore_mem>>) src(%dma_wait3A_97 : memref<8x576xf32, #tpu.memory_space<hbm>>) dst(%dma_wait3A_94 : memref<8x576xf32, #tpu.memory_space<vmem>>)
    %parallel_loop3A_98 = arith.constant 0 : i32
    %parallel_loop3A_99 = arith.constant 72 : i32
    %parallel_loop3A_100 = arith.constant 1 : i32
    scf.for %parallel_loop3A_115 = %parallel_loop3A_98 to %parallel_loop3A_99 step %parallel_loop3A_100  : i32 {
      %parallel_loop3A_116 = arith.constant 9 : i32
      %parallel_loop3A_117 = arith.divsi %parallel_loop3A_115, %parallel_loop3A_116 : i32
      %parallel_loop3A_118 = arith.constant 0 : i32
      %parallel_loop3A_119 = arith.cmpi sgt, %parallel_loop3A_115, %parallel_loop3A_118 : i32
      %parallel_loop3A_120 = arith.extui %parallel_loop3A_119 : i1 to i32
      %parallel_loop3A_121 = arith.constant 0 : i32
      %parallel_loop3A_122 = arith.cmpi slt, %parallel_loop3A_115, %parallel_loop3A_121 : i32
      %parallel_loop3A_123 = arith.extui %parallel_loop3A_122 : i1 to i32
      %parallel_loop3A_124 = arith.subi %parallel_loop3A_120, %parallel_loop3A_123 : i32
      %parallel_loop3A_125 = arith.constant 0 : i32
      %parallel_loop3A_126 = arith.cmpi sgt, %parallel_loop3A_116, %parallel_loop3A_125 : i32
      %parallel_loop3A_127 = arith.extui %parallel_loop3A_126 : i1 to i32
      %parallel_loop3A_128 = arith.constant 0 : i32
      %parallel_loop3A_129 = arith.cmpi slt, %parallel_loop3A_116, %parallel_loop3A_128 : i32
      %parallel_loop3A_130 = arith.extui %parallel_loop3A_129 : i1 to i32
      %parallel_loop3A_131 = arith.subi %parallel_loop3A_127, %parallel_loop3A_130 : i32
      %parallel_loop3A_132 = arith.cmpi ne, %parallel_loop3A_124, %parallel_loop3A_131 : i32
      %parallel_loop3A_133 = arith.remsi %parallel_loop3A_115, %parallel_loop3A_116 : i32
      %parallel_loop3A_134 = arith.constant 0 : i32
      %parallel_loop3A_135 = arith.cmpi ne, %parallel_loop3A_133, %parallel_loop3A_134 : i32
      %parallel_loop3A_136 = arith.andi %parallel_loop3A_132, %parallel_loop3A_135 : i1
      %parallel_loop3A_137 = arith.constant 1 : i32
      %parallel_loop3A_138 = arith.subi %parallel_loop3A_117, %parallel_loop3A_137 : i32
      %parallel_loop3A_139 = arith.select %parallel_loop3A_136, %parallel_loop3A_138, %parallel_loop3A_117 : i32
      %parallel_loop3A_140 = arith.constant 16 : i32
      %parallel_loop3A_141 = arith.addi %parallel_loop3A_140, %parallel_loop3A_139 : i32
      %parallel_loop3A_142 = arith.constant 9 : i32
      %parallel_loop3A_143 = arith.constant 0 : i32
      %parallel_loop3A_144 = arith.cmpi eq, %parallel_loop3A_142, %parallel_loop3A_143 : i32
      %parallel_loop3A_145 = arith.constant 1 : i32
      %parallel_loop3A_146 = arith.select %parallel_loop3A_144, %parallel_loop3A_145, %parallel_loop3A_142 : i32
      %parallel_loop3A_147 = arith.remsi %parallel_loop3A_115, %parallel_loop3A_146 : i32
      %parallel_loop3A_148 = arith.constant 0 : i32
      %parallel_loop3A_149 = arith.cmpi ne, %parallel_loop3A_147, %parallel_loop3A_148 : i32
      %parallel_loop3A_150 = arith.constant 0 : i32
      %parallel_loop3A_151 = arith.cmpi slt, %parallel_loop3A_147, %parallel_loop3A_150 : i32
      %parallel_loop3A_152 = arith.constant 0 : i32
      %parallel_loop3A_153 = arith.cmpi slt, %parallel_loop3A_146, %parallel_loop3A_152 : i32
      %parallel_loop3A_154 = arith.xori %parallel_loop3A_151, %parallel_loop3A_153 : i1
      %parallel_loop3A_155 = arith.andi %parallel_loop3A_154, %parallel_loop3A_149 : i1
      %parallel_loop3A_156 = arith.addi %parallel_loop3A_147, %parallel_loop3A_146 : i32
      %parallel_loop3A_157 = arith.select %parallel_loop3A_155, %parallel_loop3A_156, %parallel_loop3A_147 : i32
      %parallel_loop3A_158 = arith.constant 64 : i32
      %parallel_loop3A_159 = arith.muli %parallel_loop3A_157, %parallel_loop3A_158 : i32
      %parallel_loop3A_160 = arith.constant 0 : i32
      %parallel_loop3A_161 = arith.addi %parallel_loop3A_159, %parallel_loop3A_160 : i32
      %parallel_loop3A_162 = arith.index_cast %parallel_loop3A_141 : i32 to index
      %parallel_loop3A_163 = arith.index_cast %parallel_loop3A_161 : i32 to index
      %parallel_loop3A_164 = tpu.vector_load %arg6[%parallel_loop3A_162, %parallel_loop3A_163] {strides = array<i32>} : memref<24x576xf32, #tpu.memory_space<vmem>>, vector<16xf32>,
      %parallel_loop3A_165 = arith.constant -8.000000e+00 : f32
      %parallel_loop3A_166 = arith.constant 8.000000e+00 : f32
      %parallel_loop3A_167 = vector.broadcast %parallel_loop3A_165 : f32 to vector<16xf32>
      %parallel_loop3A_168 = arith.maximumf %parallel_loop3A_167, %parallel_loop3A_164 : vector<16xf32>
      %parallel_loop3A_169 = vector.broadcast %parallel_loop3A_166 : f32 to vector<16xf32>
      %parallel_loop3A_170 = arith.minimumf %parallel_loop3A_169, %parallel_loop3A_168 : vector<16xf32>
      %parallel_loop3A_171 = arith.constant -8.000000e+00 : f32
      %parallel_loop3A_172 = vector.broadcast %parallel_loop3A_171 : f32 to vector<16xf32>
      %parallel_loop3A_173 = arith.subf %parallel_loop3A_170, %parallel_loop3A_172 : vector<16xf32>
      %parallel_loop3A_174 = arith.constant 127.9375 : f32
      %parallel_loop3A_175 = vector.broadcast %parallel_loop3A_174 : f32 to vector<16xf32>
      %parallel_loop3A_176 = arith.mulf %parallel_loop3A_173, %parallel_loop3A_175 : vector<16xf32>
      %parallel_loop3A_177 = arith.fptosi %parallel_loop3A_176 : vector<16xf32> to vector<16xi32>
      %parallel_loop3A_178 = arith.constant 2046 : i32
      %parallel_loop3A_179 = vector.broadcast %parallel_loop3A_178 : i32 to vector<16xi32>
      %parallel_loop3A_180 = arith.minsi %parallel_loop3A_177, %parallel_loop3A_179 : vector<16xi32>
      %parallel_loop3A_181 = arith.sitofp %parallel_loop3A_180 : vector<16xi32> to vector<16xf32>
      %parallel_loop3A_182 = arith.subf %parallel_loop3A_176, %parallel_loop3A_181 : vector<16xf32>
      %parallel_loop3A_183 = tpu.vector_load_idx %arg5[%parallel_loop3A_180] : memref<2048xf32, #tpu.memory_space<vmem>>[vector<16xi32>], vector<16xf32>,
      %parallel_loop3A_184 = arith.constant 1 : i32
      %parallel_loop3A_185 = vector.broadcast %parallel_loop3A_184 : i32 to vector<16xi32>
      %parallel_loop3A_186 = arith.addi %parallel_loop3A_180, %parallel_loop3A_185 : vector<16xi32>
      %parallel_loop3A_187 = tpu.vector_load_idx %arg5[%parallel_loop3A_186] : memref<2048xf32, #tpu.memory_space<vmem>>[vector<16xi32>], vector<16xf32>,
      %parallel_loop3A_188 = arith.subf %parallel_loop3A_187, %parallel_loop3A_183 : vector<16xf32>
      %parallel_loop3A_189 = arith.mulf %parallel_loop3A_182, %parallel_loop3A_188 : vector<16xf32>
      %parallel_loop3A_190 = arith.addf %parallel_loop3A_183, %parallel_loop3A_189 : vector<16xf32>
      %parallel_loop3A_191 = arith.index_cast %parallel_loop3A_141 : i32 to index
      %parallel_loop3A_192 = arith.index_cast %parallel_loop3A_161 : i32 to index
      %parallel_loop3A_193 = tpu.vector_load %arg7[%parallel_loop3A_191, %parallel_loop3A_192] {strides = array<i32>} : memref<24x576xf32, #tpu.memory_space<vmem>>, vector<16xf32>,
      tpu.vector_store %arg7[%parallel_loop3A_191, %parallel_loop3A_192], %parallel_loop3A_190 {strides = array<i32>} : memref<24x576xf32, #tpu.memory_space<vmem>>, vector<16xf32>,
      %parallel_loop3A_194 = arith.constant 16 : i32
      %parallel_loop3A_195 = arith.addi %parallel_loop3A_159, %parallel_loop3A_194 : i32
      %parallel_loop3A_196 = arith.index_cast %parallel_loop3A_141 : i32 to index
      %parallel_loop3A_197 = arith.index_cast %parallel_loop3A_195 : i32 to index
      %parallel_loop3A_198 = tpu.vector_load %arg6[%parallel_loop3A_196, %parallel_loop3A_197] {strides = array<i32>} : memref<24x576xf32, #tpu.memory_space<vmem>>, vector<16xf32>,
      %parallel_loop3A_199 = arith.constant -8.000000e+00 : f32
      %parallel_loop3A_200 = arith.constant 8.000000e+00 : f32
      %parallel_loop3A_201 = vector.broadcast %parallel_loop3A_199 : f32 to vector<16xf32>
      %parallel_loop3A_202 = arith.maximumf %parallel_loop3A_201, %parallel_loop3A_198 : vector<16xf32>
      %parallel_loop3A_203 = vector.broadcast %parallel_loop3A_200 : f32 to vector<16xf32>
      %parallel_loop3A_204 = arith.minimumf %parallel_loop3A_203, %parallel_loop3A_202 : vector<16xf32>
      %parallel_loop3A_205 = arith.constant -8.000000e+00 : f32
      %parallel_loop3A_206 = vector.broadcast %parallel_loop3A_205 : f32 to vector<16xf32>
      %parallel_loop3A_207 = arith.subf %parallel_loop3A_204, %parallel_loop3A_206 : vector<16xf32>
      %parallel_loop3A_208 = arith.constant 127.9375 : f32
      %parallel_loop3A_209 = vector.broadcast %parallel_loop3A_208 : f32 to vector<16xf32>
      %parallel_loop3A_210 = arith.mulf %parallel_loop3A_207, %parallel_loop3A_209 : vector<16xf32>
      %parallel_loop3A_211 = arith.fptosi %parallel_loop3A_210 : vector<16xf32> to vector<16xi32>
      %parallel_loop3A_212 = arith.constant 2046 : i32
      %parallel_loop3A_213 = vector.broadcast %parallel_loop3A_212 : i32 to vector<16xi32>
      %parallel_loop3A_214 = arith.minsi %parallel_loop3A_211, %parallel_loop3A_213 : vector<16xi32>
      %parallel_loop3A_215 = arith.sitofp %parallel_loop3A_214 : vector<16xi32> to vector<16xf32>
      %parallel_loop3A_216 = arith.subf %parallel_loop3A_210, %parallel_loop3A_215 : vector<16xf32>
      %parallel_loop3A_217 = tpu.vector_load_idx %arg5[%parallel_loop3A_214] : memref<2048xf32, #tpu.memory_space<vmem>>[vector<16xi32>], vector<16xf32>,
      %parallel_loop3A_218 = arith.constant 1 : i32
      %parallel_loop3A_219 = vector.broadcast %parallel_loop3A_218 : i32 to vector<16xi32>
      %parallel_loop3A_220 = arith.addi %parallel_loop3A_214, %parallel_loop3A_219 : vector<16xi32>
      %parallel_loop3A_221 = tpu.vector_load_idx %arg5[%parallel_loop3A_220] : memref<2048xf32, #tpu.memory_space<vmem>>[vector<16xi32>], vector<16xf32>,
      %parallel_loop3A_222 = arith.subf %parallel_loop3A_221, %parallel_loop3A_217 : vector<16xf32>
      %parallel_loop3A_223 = arith.mulf %parallel_loop3A_216, %parallel_loop3A_222 : vector<16xf32>
      %parallel_loop3A_224 = arith.addf %parallel_loop3A_217, %parallel_loop3A_223 : vector<16xf32>
      %parallel_loop3A_225 = arith.index_cast %parallel_loop3A_141 : i32 to index
      %parallel_loop3A_226 = arith.index_cast %parallel_loop3A_195 : i32 to index
      %parallel_loop3A_227 = tpu.vector_load %arg7[%parallel_loop3A_225, %parallel_loop3A_226] {strides = array<i32>} : memref<24x576xf32, #tpu.memory_space<vmem>>, vector<16xf32>,
      tpu.vector_store %arg7[%parallel_loop3A_225, %parallel_loop3A_226], %parallel_loop3A_224 {strides = array<i32>} : memref<24x576xf32, #tpu.memory_space<vmem>>, vector<16xf32>,
      %parallel_loop3A_228 = arith.constant 32 : i32
      %parallel_loop3A_229 = arith.addi %parallel_loop3A_159, %parallel_loop3A_228 : i32
      %parallel_loop3A_230 = arith.index_cast %parallel_loop3A_141 : i32 to index
      %parallel_loop3A_231 = arith.index_cast %parallel_loop3A_229 : i32 to index
      %parallel_loop3A_232 = tpu.vector_load %arg6[%parallel_loop3A_230, %parallel_loop3A_231] {strides = array<i32>} : memref<24x576xf32, #tpu.memory_space<vmem>>, vector<16xf32>,
      %parallel_loop3A_233 = arith.constant -8.000000e+00 : f32
      %parallel_loop3A_234 = arith.constant 8.000000e+00 : f32
      %parallel_loop3A_235 = vector.broadcast %parallel_loop3A_233 : f32 to vector<16xf32>
      %parallel_loop3A_236 = arith.maximumf %parallel_loop3A_235, %parallel_loop3A_232 : vector<16xf32>
      %parallel_loop3A_237 = vector.broadcast %parallel_loop3A_234 : f32 to vector<16xf32>
      %parallel_loop3A_238 = arith.minimumf %parallel_loop3A_237, %parallel_loop3A_236 : vector<16xf32>
      %parallel_loop3A_239 = arith.constant -8.000000e+00 : f32
      %parallel_loop3A_240 = vector.broadcast %parallel_loop3A_239 : f32 to vector<16xf32>
      %parallel_loop3A_241 = arith.subf %parallel_loop3A_238, %parallel_loop3A_240 : vector<16xf32>
      %parallel_loop3A_242 = arith.constant 127.9375 : f32
      %parallel_loop3A_243 = vector.broadcast %parallel_loop3A_242 : f32 to vector<16xf32>
      %parallel_loop3A_244 = arith.mulf %parallel_loop3A_241, %parallel_loop3A_243 : vector<16xf32>
      %parallel_loop3A_245 = arith.fptosi %parallel_loop3A_244 : vector<16xf32> to vector<16xi32>
      %parallel_loop3A_246 = arith.constant 2046 : i32
      %parallel_loop3A_247 = vector.broadcast %parallel_loop3A_246 : i32 to vector<16xi32>
      %parallel_loop3A_248 = arith.minsi %parallel_loop3A_245, %parallel_loop3A_247 : vector<16xi32>
      %parallel_loop3A_249 = arith.sitofp %parallel_loop3A_248 : vector<16xi32> to vector<16xf32>
      %parallel_loop3A_250 = arith.subf %parallel_loop3A_244, %parallel_loop3A_249 : vector<16xf32>
      %parallel_loop3A_251 = tpu.vector_load_idx %arg5[%parallel_loop3A_248] : memref<2048xf32, #tpu.memory_space<vmem>>[vector<16xi32>], vector<16xf32>,
      %parallel_loop3A_252 = arith.constant 1 : i32
      %parallel_loop3A_253 = vector.broadcast %parallel_loop3A_252 : i32 to vector<16xi32>
      %parallel_loop3A_254 = arith.addi %parallel_loop3A_248, %parallel_loop3A_253 : vector<16xi32>
      %parallel_loop3A_255 = tpu.vector_load_idx %arg5[%parallel_loop3A_254] : memref<2048xf32, #tpu.memory_space<vmem>>[vector<16xi32>], vector<16xf32>,
      %parallel_loop3A_256 = arith.subf %parallel_loop3A_255, %parallel_loop3A_251 : vector<16xf32>
      %parallel_loop3A_257 = arith.mulf %parallel_loop3A_250, %parallel_loop3A_256 : vector<16xf32>
      %parallel_loop3A_258 = arith.addf %parallel_loop3A_251, %parallel_loop3A_257 : vector<16xf32>
      %parallel_loop3A_259 = arith.index_cast %parallel_loop3A_141 : i32 to index
      %parallel_loop3A_260 = arith.index_cast %parallel_loop3A_229 : i32 to index
      %parallel_loop3A_261 = tpu.vector_load %arg7[%parallel_loop3A_259, %parallel_loop3A_260] {strides = array<i32>} : memref<24x576xf32, #tpu.memory_space<vmem>>, vector<16xf32>,
      tpu.vector_store %arg7[%parallel_loop3A_259, %parallel_loop3A_260], %parallel_loop3A_258 {strides = array<i32>} : memref<24x576xf32, #tpu.memory_space<vmem>>, vector<16xf32>,
      %parallel_loop3A_262 = arith.constant 48 : i32
      %parallel_loop3A_263 = arith.addi %parallel_loop3A_159, %parallel_loop3A_262 : i32
      %parallel_loop3A_264 = arith.index_cast %parallel_loop3A_141 : i32 to index
      %parallel_loop3A_265 = arith.index_cast %parallel_loop3A_263 : i32 to index
      %parallel_loop3A_266 = tpu.vector_load %arg6[%parallel_loop3A_264, %parallel_loop3A_265] {strides = array<i32>} : memref<24x576xf32, #tpu.memory_space<vmem>>, vector<16xf32>,
      %parallel_loop3A_267 = arith.constant -8.000000e+00 : f32
      %parallel_loop3A_268 = arith.constant 8.000000e+00 : f32
      %parallel_loop3A_269 = vector.broadcast %parallel_loop3A_267 : f32 to vector<16xf32>
      %parallel_loop3A_270 = arith.maximumf %parallel_loop3A_269, %parallel_loop3A_266 : vector<16xf32>
      %parallel_loop3A_271 = vector.broadcast %parallel_loop3A_268 : f32 to vector<16xf32>
      %parallel_loop3A_272 = arith.minimumf %parallel_loop3A_271, %parallel_loop3A_270 : vector<16xf32>
      %parallel_loop3A_273 = arith.constant -8.000000e+00 : f32
      %parallel_loop3A_274 = vector.broadcast %parallel_loop3A_273 : f32 to vector<16xf32>
      %parallel_loop3A_275 = arith.subf %parallel_loop3A_272, %parallel_loop3A_274 : vector<16xf32>
      %parallel_loop3A_276 = arith.constant 127.9375 : f32
      %parallel_loop3A_277 = vector.broadcast %parallel_loop3A_276 : f32 to vector<16xf32>
      %parallel_loop3A_278 = arith.mulf %parallel_loop3A_275, %parallel_loop3A_277 : vector<16xf32>
      %parallel_loop3A_279 = arith.fptosi %parallel_loop3A_278 : vector<16xf32> to vector<16xi32>
      %parallel_loop3A_280 = arith.constant 2046 : i32
      %parallel_loop3A_281 = vector.broadcast %parallel_loop3A_280 : i32 to vector<16xi32>
      %parallel_loop3A_282 = arith.minsi %parallel_loop3A_279, %parallel_loop3A_281 : vector<16xi32>
      %parallel_loop3A_283 = arith.sitofp %parallel_loop3A_282 : vector<16xi32> to vector<16xf32>
      %parallel_loop3A_284 = arith.subf %parallel_loop3A_278, %parallel_loop3A_283 : vector<16xf32>
      %parallel_loop3A_285 = tpu.vector_load_idx %arg5[%parallel_loop3A_282] : memref<2048xf32, #tpu.memory_space<vmem>>[vector<16xi32>], vector<16xf32>,
      %parallel_loop3A_286 = arith.constant 1 : i32
      %parallel_loop3A_287 = vector.broadcast %parallel_loop3A_286 : i32 to vector<16xi32>
      %parallel_loop3A_288 = arith.addi %parallel_loop3A_282, %parallel_loop3A_287 : vector<16xi32>
      %parallel_loop3A_289 = tpu.vector_load_idx %arg5[%parallel_loop3A_288] : memref<2048xf32, #tpu.memory_space<vmem>>[vector<16xi32>], vector<16xf32>,
      %parallel_loop3A_290 = arith.subf %parallel_loop3A_289, %parallel_loop3A_285 : vector<16xf32>
      %parallel_loop3A_291 = arith.mulf %parallel_loop3A_284, %parallel_loop3A_290 : vector<16xf32>
      %parallel_loop3A_292 = arith.addf %parallel_loop3A_285, %parallel_loop3A_291 : vector<16xf32>
      %parallel_loop3A_293 = arith.index_cast %parallel_loop3A_141 : i32 to index
      %parallel_loop3A_294 = arith.index_cast %parallel_loop3A_263 : i32 to index
      %parallel_loop3A_295 = tpu.vector_load %arg7[%parallel_loop3A_293, %parallel_loop3A_294] {strides = array<i32>} : memref<24x576xf32, #tpu.memory_space<vmem>>, vector<16xf32>,
      tpu.vector_store %arg7[%parallel_loop3A_293, %parallel_loop3A_294], %parallel_loop3A_292 {strides = array<i32>} : memref<24x576xf32, #tpu.memory_space<vmem>>, vector<16xf32>,
    } {sc.loop_unroll_factor = 2 : i64, sc.parallel_access}
    %dma_wait3A_101 = arith.constant 0 : i32
    %dma_wait3A_102 = arith.constant 0 : i32
    %dma_wait3A_103 = tpu.memref_slice %arg7[%dma_wait3A_101, %dma_wait3A_102] : memref<24x576xf32, #tpu.memory_space<vmem>> -> memref<16x576xf32, #tpu.memory_space<vmem>>
    %dma_wait3A_104 = arith.constant 0 : i32
    %dma_wait3A_105 = tpu.memref_slice %arg4[%select_n3A, %mul3A_32, %dma_wait3A_104] : memref<4x192x576xf32, #tpu.memory_space<hbm>> -> memref<1x16x576xf32, #tpu.memory_space<hbm>>
    %dma_wait3A_106 = tpu.memref_squeeze %dma_wait3A_105 : memref<1x16x576xf32, #tpu.memory_space<hbm>> -> memref<16x576xf32, #tpu.memory_space<hbm>>
    %dma_wait3A_107 = arith.constant 0 : i32
    %dma_wait3A_108 = tpu.memref_slice %arg4[%select_n3A, %mul3A_32, %dma_wait3A_107] : memref<4x192x576xf32, #tpu.memory_space<hbm>> -> memref<1x16x576xf32, #tpu.memory_space<hbm>>
    %dma_wait3A_109 = tpu.memref_squeeze %dma_wait3A_108 : memref<1x16x576xf32, #tpu.memory_space<hbm>> -> memref<16x576xf32, #tpu.memory_space<hbm>>
    %dma_wait3A_110 = arith.constant 0 : i32
    %dma_wait3A_111 = arith.constant 0 : i32
    %dma_wait3A_112 = tpu.memref_slice %arg7[%dma_wait3A_110, %dma_wait3A_111] : memref<24x576xf32, #tpu.memory_space<vmem>> -> memref<16x576xf32, #tpu.memory_space<vmem>>
    tpu.wait_dma2 semaphore(%arg11 : memref<!tpu.dma_semaphore, #tpu.memory_space<semaphore_mem>>) src(%dma_wait3A_112 : memref<16x576xf32, #tpu.memory_space<vmem>>) dst(%dma_wait3A_109 : memref<16x576xf32, #tpu.memory_space<hbm>>)
    %add3A_113 = arith.constant 16 : i32
    %add3A_114 = arith.addi %mul3A_32, %add3A_113 : i32
    "tpu.region"() ({
      %run_scoped3A = tpu.sem_alloc : memref<!tpu.dma_semaphore, #tpu.memory_space<semaphore_mem>>
      %dma_start3A_115 = arith.constant 16 : i32
      %dma_start3A_116 = arith.constant 0 : i32
      %dma_start3A_117 = tpu.memref_slice %arg7[%dma_start3A_115, %dma_start3A_116] : memref<24x576xf32, #tpu.memory_space<vmem>> -> memref<8x576xf32, #tpu.memory_space<vmem>>
      %dma_start3A_118 = arith.constant 0 : i32
      %dma_start3A_119 = tpu.memref_slice %arg4[%select_n3A, %add3A_114, %dma_start3A_118] : memref<4x192x576xf32, #tpu.memory_space<hbm>> -> memref<1x8x576xf32, #tpu.memory_space<hbm>>
      %dma_start3A_120 = tpu.memref_squeeze %dma_start3A_119 : memref<1x8x576xf32, #tpu.memory_space<hbm>> -> memref<8x576xf32, #tpu.memory_space<hbm>>
      %dma_start3A_121 = arith.constant 0 : i32
      %dma_start3A_122 = tpu.memref_slice %arg4[%select_n3A, %add3A_114, %dma_start3A_121] : memref<4x192x576xf32, #tpu.memory_space<hbm>> -> memref<1x8x576xf32, #tpu.memory_space<hbm>>
      %dma_start3A_123 = tpu.memref_squeeze %dma_start3A_122 : memref<1x8x576xf32, #tpu.memory_space<hbm>> -> memref<8x576xf32, #tpu.memory_space<hbm>>
      %dma_start3A_124 = arith.constant 16 : i32
      %dma_start3A_125 = arith.constant 0 : i32
      %dma_start3A_126 = tpu.memref_slice %arg7[%dma_start3A_124, %dma_start3A_125] : memref<24x576xf32, #tpu.memory_space<vmem>> -> memref<8x576xf32, #tpu.memory_space<vmem>>
      tpu.enqueue_dma source(%dma_start3A_126 : memref<8x576xf32, #tpu.memory_space<vmem>>) target(%dma_start3A_123 : memref<8x576xf32, #tpu.memory_space<hbm>>) target_semaphore(%run_scoped3A : memref<!tpu.dma_semaphore, #tpu.memory_space<semaphore_mem>>)
      %dma_wait3A_127 = arith.constant 16 : i32
      %dma_wait3A_128 = arith.constant 0 : i32
      %dma_wait3A_129 = tpu.memref_slice %arg7[%dma_wait3A_127, %dma_wait3A_128] : memref<24x576xf32, #tpu.memory_space<vmem>> -> memref<8x576xf32, #tpu.memory_space<vmem>>
      %dma_wait3A_130 = arith.constant 0 : i32
      %dma_wait3A_131 = tpu.memref_slice %arg4[%select_n3A, %add3A_114, %dma_wait3A_130] : memref<4x192x576xf32, #tpu.memory_space<hbm>> -> memref<1x8x576xf32, #tpu.memory_space<hbm>>
      %dma_wait3A_132 = tpu.memref_squeeze %dma_wait3A_131 : memref<1x8x576xf32, #tpu.memory_space<hbm>> -> memref<8x576xf32, #tpu.memory_space<hbm>>
      %dma_wait3A_133 = arith.constant 0 : i32
      %dma_wait3A_134 = tpu.memref_slice %arg4[%select_n3A, %add3A_114, %dma_wait3A_133] : memref<4x192x576xf32, #tpu.memory_space<hbm>> -> memref<1x8x576xf32, #tpu.memory_space<hbm>>
      %dma_wait3A_135 = tpu.memref_squeeze %dma_wait3A_134 : memref<1x8x576xf32, #tpu.memory_space<hbm>> -> memref<8x576xf32, #tpu.memory_space<hbm>>
      %dma_wait3A_136 = arith.constant 16 : i32
      %dma_wait3A_137 = arith.constant 0 : i32
      %dma_wait3A_138 = tpu.memref_slice %arg7[%dma_wait3A_136, %dma_wait3A_137] : memref<24x576xf32, #tpu.memory_space<vmem>> -> memref<8x576xf32, #tpu.memory_space<vmem>>
      tpu.wait_dma2 semaphore(%run_scoped3A : memref<!tpu.dma_semaphore, #tpu.memory_space<semaphore_mem>>) src(%dma_wait3A_138 : memref<8x576xf32, #tpu.memory_space<vmem>>) dst(%dma_wait3A_135 : memref<8x576xf32, #tpu.memory_space<hbm>>)
      tpu.yield
    }) : () -> ()
    return
  }
}

module attributes {stable_mosaic.version = 14 : i64} {
  func.func @_tab_body(%arg0: memref<256xf32, #tpu.memory_space<smem>>, %arg1: memref<1xf32, #tpu.memory_space<smem>>, %arg2: memref<16x128xf32, #tpu.memory_space<vmem>>) attributes {dimension_semantics = [], scalar_prefetch = 0 : i64, scratch_operands = 0 : i64, tpu.core_type = #tpu.core_type<tc>} {
    %get3A = arith.constant 0 : index
    %get3A_0 = memref.load %arg1[%get3A] : memref<1xf32, #tpu.memory_space<smem>>
    %get3A_1 = arith.constant 0 : index
    %get3A_2 = memref.load %arg0[%get3A_1] : memref<256xf32, #tpu.memory_space<smem>>
    %iota3A = tpu.iota {dimensions = array<i32: 0>} : vector<16x128xi32>
    %mul3A = arith.constant 128 : i32
    %mul3A_3 = vector.broadcast %mul3A : i32 to vector<16x128xi32>
    %mul3A_4 = arith.muli %iota3A, %mul3A_3 : vector<16x128xi32>
    %iota3A_5 = tpu.iota {dimensions = array<i32: 1>} : vector<16x128xi32>
    %add3A = arith.addi %mul3A_4, %iota3A_5 : vector<16x128xi32>
    %convert_element_type3A = arith.sitofp %add3A : vector<16x128xi32> to vector<16x128xf32>
    %mul3A_6 = arith.constant 0.00781631655 : f32
    %mul3A_7 = vector.broadcast %mul3A_6 : f32 to vector<16x128xf32>
    %mul3A_8 = arith.mulf %mul3A_7, %convert_element_type3A : vector<16x128xf32>
    %add3A_9 = arith.constant -8.000000e+00 : f32
    %add3A_10 = vector.broadcast %add3A_9 : f32 to vector<16x128xf32>
    %add3A_11 = arith.addf %add3A_10, %mul3A_8 : vector<16x128xf32>
    %broadcast_in_dim3A = vector.broadcast %get3A_2 : f32 to vector<16x128xf32>
    %scan3A = arith.constant 0 : i32
    %scan3A_12 = arith.constant 17 : i32
    %scan3A_13 = arith.addi %scan3A, %scan3A_12 : i32
    %scan3A_14 = arith.constant 1 : i32
    %scan3A_15 = scf.for %scan3A_19 = %scan3A to %scan3A_13 step %scan3A_14 iter_args(%scan3A_20 = %broadcast_in_dim3A) -> (vector<16x128xf32>)  : i32 {
      %mul3A_21 = arith.constant 15 : i32
      %mul3A_22 = arith.muli %scan3A_19, %mul3A_21 : i32
      %add3A_23 = arith.constant 0 : i32
      %add3A_24 = arith.addi %mul3A_22, %add3A_23 : i32
      %get3A_25 = arith.index_cast %add3A_24 : i32 to index
      %get3A_26 = memref.load %arg0[%get3A_25] : memref<256xf32, #tpu.memory_space<smem>>
      %add3A_27 = arith.constant 1 : i32
      %add3A_28 = arith.addi %add3A_24, %add3A_27 : i32
      %get3A_29 = arith.index_cast %add3A_28 : i32 to index
      %get3A_30 = memref.load %arg0[%get3A_29] : memref<256xf32, #tpu.memory_space<smem>>
      %sub3A = arith.subf %get3A_30, %get3A_26 : f32
      %add3A_31 = arith.addf %get3A_30, %get3A_26 : f32
      %mul3A_32 = arith.constant 5.000000e-01 : f32
      %mul3A_33 = arith.mulf %mul3A_32, %add3A_31 : f32
      %sub3A_34 = vector.broadcast %mul3A_33 : f32 to vector<16x128xf32>
      %sub3A_35 = arith.subf %add3A_11, %sub3A_34 : vector<16x128xf32>
      %mul3A_36 = vector.broadcast %get3A_0 : f32 to vector<16x128xf32>
      %mul3A_37 = arith.mulf %mul3A_36, %sub3A_35 : vector<16x128xf32>
      %logistic3A = arith.negf %mul3A_37 : vector<16x128xf32>
      %logistic3A_38 = math.exp %logistic3A : vector<16x128xf32>
      %logistic3A_39 = arith.constant 1.000000e+00 : f32
      %logistic3A_40 = vector.broadcast %logistic3A_39 : f32 to vector<16x128xf32>
      %logistic3A_41 = arith.addf %logistic3A_40, %logistic3A_38 : vector<16x128xf32>
      %logistic3A_42 = arith.divf %logistic3A_40, %logistic3A_41 : vector<16x128xf32>
      %mul3A_43 = vector.broadcast %sub3A : f32 to vector<16x128xf32>
      %mul3A_44 = arith.mulf %mul3A_43, %logistic3A_42 : vector<16x128xf32>
      %add3A_45 = arith.addf %scan3A_20, %mul3A_44 : vector<16x128xf32>
      %mul3A_46 = arith.constant 15 : i32
      %mul3A_47 = arith.muli %scan3A_19, %mul3A_46 : i32
      %add3A_48 = arith.constant 1 : i32
      %add3A_49 = arith.addi %mul3A_47, %add3A_48 : i32
      %get3A_50 = arith.index_cast %add3A_49 : i32 to index
      %get3A_51 = memref.load %arg0[%get3A_50] : memref<256xf32, #tpu.memory_space<smem>>
      %add3A_52 = arith.constant 1 : i32
      %add3A_53 = arith.addi %add3A_49, %add3A_52 : i32
      %get3A_54 = arith.index_cast %add3A_53 : i32 to index
      %get3A_55 = memref.load %arg0[%get3A_54] : memref<256xf32, #tpu.memory_space<smem>>
      %sub3A_56 = arith.subf %get3A_55, %get3A_51 : f32
      %add3A_57 = arith.addf %get3A_55, %get3A_51 : f32
      %mul3A_58 = arith.constant 5.000000e-01 : f32
      %mul3A_59 = arith.mulf %mul3A_58, %add3A_57 : f32
      %sub3A_60 = vector.broadcast %mul3A_59 : f32 to vector<16x128xf32>
      %sub3A_61 = arith.subf %add3A_11, %sub3A_60 : vector<16x128xf32>
      %mul3A_62 = vector.broadcast %get3A_0 : f32 to vector<16x128xf32>
      %mul3A_63 = arith.mulf %mul3A_62, %sub3A_61 : vector<16x128xf32>
      %logistic3A_64 = arith.negf %mul3A_63 : vector<16x128xf32>
      %logistic3A_65 = math.exp %logistic3A_64 : vector<16x128xf32>
      %logistic3A_66 = arith.constant 1.000000e+00 : f32
      %logistic3A_67 = vector.broadcast %logistic3A_66 : f32 to vector<16x128xf32>
      %logistic3A_68 = arith.addf %logistic3A_67, %logistic3A_65 : vector<16x128xf32>
      %logistic3A_69 = arith.divf %logistic3A_67, %logistic3A_68 : vector<16x128xf32>
      %mul3A_70 = vector.broadcast %sub3A_56 : f32 to vector<16x128xf32>
      %mul3A_71 = arith.mulf %mul3A_70, %logistic3A_69 : vector<16x128xf32>
      %add3A_72 = arith.addf %add3A_45, %mul3A_71 : vector<16x128xf32>
      %mul3A_73 = arith.constant 15 : i32
      %mul3A_74 = arith.muli %scan3A_19, %mul3A_73 : i32
      %add3A_75 = arith.constant 2 : i32
      %add3A_76 = arith.addi %mul3A_74, %add3A_75 : i32
      %get3A_77 = arith.index_cast %add3A_76 : i32 to index
      %get3A_78 = memref.load %arg0[%get3A_77] : memref<256xf32, #tpu.memory_space<smem>>
      %add3A_79 = arith.constant 1 : i32
      %add3A_80 = arith.addi %add3A_76, %add3A_79 : i32
      %get3A_81 = arith.index_cast %add3A_80 : i32 to index
      %get3A_82 = memref.load %arg0[%get3A_81] : memref<256xf32, #tpu.memory_space<smem>>
      %sub3A_83 = arith.subf %get3A_82, %get3A_78 : f32
      %add3A_84 = arith.addf %get3A_82, %get3A_78 : f32
      %mul3A_85 = arith.constant 5.000000e-01 : f32
      %mul3A_86 = arith.mulf %mul3A_85, %add3A_84 : f32
      %sub3A_87 = vector.broadcast %mul3A_86 : f32 to vector<16x128xf32>
      %sub3A_88 = arith.subf %add3A_11, %sub3A_87 : vector<16x128xf32>
      %mul3A_89 = vector.broadcast %get3A_0 : f32 to vector<16x128xf32>
      %mul3A_90 = arith.mulf %mul3A_89, %sub3A_88 : vector<16x128xf32>
      %logistic3A_91 = arith.negf %mul3A_90 : vector<16x128xf32>
      %logistic3A_92 = math.exp %logistic3A_91 : vector<16x128xf32>
      %logistic3A_93 = arith.constant 1.000000e+00 : f32
      %logistic3A_94 = vector.broadcast %logistic3A_93 : f32 to vector<16x128xf32>
      %logistic3A_95 = arith.addf %logistic3A_94, %logistic3A_92 : vector<16x128xf32>
      %logistic3A_96 = arith.divf %logistic3A_94, %logistic3A_95 : vector<16x128xf32>
      %mul3A_97 = vector.broadcast %sub3A_83 : f32 to vector<16x128xf32>
      %mul3A_98 = arith.mulf %mul3A_97, %logistic3A_96 : vector<16x128xf32>
      %add3A_99 = arith.addf %add3A_72, %mul3A_98 : vector<16x128xf32>
      %mul3A_100 = arith.constant 15 : i32
      %mul3A_101 = arith.muli %scan3A_19, %mul3A_100 : i32
      %add3A_102 = arith.constant 3 : i32
      %add3A_103 = arith.addi %mul3A_101, %add3A_102 : i32
      %get3A_104 = arith.index_cast %add3A_103 : i32 to index
      %get3A_105 = memref.load %arg0[%get3A_104] : memref<256xf32, #tpu.memory_space<smem>>
      %add3A_106 = arith.constant 1 : i32
      %add3A_107 = arith.addi %add3A_103, %add3A_106 : i32
      %get3A_108 = arith.index_cast %add3A_107 : i32 to index
      %get3A_109 = memref.load %arg0[%get3A_108] : memref<256xf32, #tpu.memory_space<smem>>
      %sub3A_110 = arith.subf %get3A_109, %get3A_105 : f32
      %add3A_111 = arith.addf %get3A_109, %get3A_105 : f32
      %mul3A_112 = arith.constant 5.000000e-01 : f32
      %mul3A_113 = arith.mulf %mul3A_112, %add3A_111 : f32
      %sub3A_114 = vector.broadcast %mul3A_113 : f32 to vector<16x128xf32>
      %sub3A_115 = arith.subf %add3A_11, %sub3A_114 : vector<16x128xf32>
      %mul3A_116 = vector.broadcast %get3A_0 : f32 to vector<16x128xf32>
      %mul3A_117 = arith.mulf %mul3A_116, %sub3A_115 : vector<16x128xf32>
      %logistic3A_118 = arith.negf %mul3A_117 : vector<16x128xf32>
      %logistic3A_119 = math.exp %logistic3A_118 : vector<16x128xf32>
      %logistic3A_120 = arith.constant 1.000000e+00 : f32
      %logistic3A_121 = vector.broadcast %logistic3A_120 : f32 to vector<16x128xf32>
      %logistic3A_122 = arith.addf %logistic3A_121, %logistic3A_119 : vector<16x128xf32>
      %logistic3A_123 = arith.divf %logistic3A_121, %logistic3A_122 : vector<16x128xf32>
      %mul3A_124 = vector.broadcast %sub3A_110 : f32 to vector<16x128xf32>
      %mul3A_125 = arith.mulf %mul3A_124, %logistic3A_123 : vector<16x128xf32>
      %add3A_126 = arith.addf %add3A_99, %mul3A_125 : vector<16x128xf32>
      %mul3A_127 = arith.constant 15 : i32
      %mul3A_128 = arith.muli %scan3A_19, %mul3A_127 : i32
      %add3A_129 = arith.constant 4 : i32
      %add3A_130 = arith.addi %mul3A_128, %add3A_129 : i32
      %get3A_131 = arith.index_cast %add3A_130 : i32 to index
      %get3A_132 = memref.load %arg0[%get3A_131] : memref<256xf32, #tpu.memory_space<smem>>
      %add3A_133 = arith.constant 1 : i32
      %add3A_134 = arith.addi %add3A_130, %add3A_133 : i32
      %get3A_135 = arith.index_cast %add3A_134 : i32 to index
      %get3A_136 = memref.load %arg0[%get3A_135] : memref<256xf32, #tpu.memory_space<smem>>
      %sub3A_137 = arith.subf %get3A_136, %get3A_132 : f32
      %add3A_138 = arith.addf %get3A_136, %get3A_132 : f32
      %mul3A_139 = arith.constant 5.000000e-01 : f32
      %mul3A_140 = arith.mulf %mul3A_139, %add3A_138 : f32
      %sub3A_141 = vector.broadcast %mul3A_140 : f32 to vector<16x128xf32>
      %sub3A_142 = arith.subf %add3A_11, %sub3A_141 : vector<16x128xf32>
      %mul3A_143 = vector.broadcast %get3A_0 : f32 to vector<16x128xf32>
      %mul3A_144 = arith.mulf %mul3A_143, %sub3A_142 : vector<16x128xf32>
      %logistic3A_145 = arith.negf %mul3A_144 : vector<16x128xf32>
      %logistic3A_146 = math.exp %logistic3A_145 : vector<16x128xf32>
      %logistic3A_147 = arith.constant 1.000000e+00 : f32
      %logistic3A_148 = vector.broadcast %logistic3A_147 : f32 to vector<16x128xf32>
      %logistic3A_149 = arith.addf %logistic3A_148, %logistic3A_146 : vector<16x128xf32>
      %logistic3A_150 = arith.divf %logistic3A_148, %logistic3A_149 : vector<16x128xf32>
      %mul3A_151 = vector.broadcast %sub3A_137 : f32 to vector<16x128xf32>
      %mul3A_152 = arith.mulf %mul3A_151, %logistic3A_150 : vector<16x128xf32>
      %add3A_153 = arith.addf %add3A_126, %mul3A_152 : vector<16x128xf32>
      %mul3A_154 = arith.constant 15 : i32
      %mul3A_155 = arith.muli %scan3A_19, %mul3A_154 : i32
      %add3A_156 = arith.constant 5 : i32
      %add3A_157 = arith.addi %mul3A_155, %add3A_156 : i32
      %get3A_158 = arith.index_cast %add3A_157 : i32 to index
      %get3A_159 = memref.load %arg0[%get3A_158] : memref<256xf32, #tpu.memory_space<smem>>
      %add3A_160 = arith.constant 1 : i32
      %add3A_161 = arith.addi %add3A_157, %add3A_160 : i32
      %get3A_162 = arith.index_cast %add3A_161 : i32 to index
      %get3A_163 = memref.load %arg0[%get3A_162] : memref<256xf32, #tpu.memory_space<smem>>
      %sub3A_164 = arith.subf %get3A_163, %get3A_159 : f32
      %add3A_165 = arith.addf %get3A_163, %get3A_159 : f32
      %mul3A_166 = arith.constant 5.000000e-01 : f32
      %mul3A_167 = arith.mulf %mul3A_166, %add3A_165 : f32
      %sub3A_168 = vector.broadcast %mul3A_167 : f32 to vector<16x128xf32>
      %sub3A_169 = arith.subf %add3A_11, %sub3A_168 : vector<16x128xf32>
      %mul3A_170 = vector.broadcast %get3A_0 : f32 to vector<16x128xf32>
      %mul3A_171 = arith.mulf %mul3A_170, %sub3A_169 : vector<16x128xf32>
      %logistic3A_172 = arith.negf %mul3A_171 : vector<16x128xf32>
      %logistic3A_173 = math.exp %logistic3A_172 : vector<16x128xf32>
      %logistic3A_174 = arith.constant 1.000000e+00 : f32
      %logistic3A_175 = vector.broadcast %logistic3A_174 : f32 to vector<16x128xf32>
      %logistic3A_176 = arith.addf %logistic3A_175, %logistic3A_173 : vector<16x128xf32>
      %logistic3A_177 = arith.divf %logistic3A_175, %logistic3A_176 : vector<16x128xf32>
      %mul3A_178 = vector.broadcast %sub3A_164 : f32 to vector<16x128xf32>
      %mul3A_179 = arith.mulf %mul3A_178, %logistic3A_177 : vector<16x128xf32>
      %add3A_180 = arith.addf %add3A_153, %mul3A_179 : vector<16x128xf32>
      %mul3A_181 = arith.constant 15 : i32
      %mul3A_182 = arith.muli %scan3A_19, %mul3A_181 : i32
      %add3A_183 = arith.constant 6 : i32
      %add3A_184 = arith.addi %mul3A_182, %add3A_183 : i32
      %get3A_185 = arith.index_cast %add3A_184 : i32 to index
      %get3A_186 = memref.load %arg0[%get3A_185] : memref<256xf32, #tpu.memory_space<smem>>
      %add3A_187 = arith.constant 1 : i32
      %add3A_188 = arith.addi %add3A_184, %add3A_187 : i32
      %get3A_189 = arith.index_cast %add3A_188 : i32 to index
      %get3A_190 = memref.load %arg0[%get3A_189] : memref<256xf32, #tpu.memory_space<smem>>
      %sub3A_191 = arith.subf %get3A_190, %get3A_186 : f32
      %add3A_192 = arith.addf %get3A_190, %get3A_186 : f32
      %mul3A_193 = arith.constant 5.000000e-01 : f32
      %mul3A_194 = arith.mulf %mul3A_193, %add3A_192 : f32
      %sub3A_195 = vector.broadcast %mul3A_194 : f32 to vector<16x128xf32>
      %sub3A_196 = arith.subf %add3A_11, %sub3A_195 : vector<16x128xf32>
      %mul3A_197 = vector.broadcast %get3A_0 : f32 to vector<16x128xf32>
      %mul3A_198 = arith.mulf %mul3A_197, %sub3A_196 : vector<16x128xf32>
      %logistic3A_199 = arith.negf %mul3A_198 : vector<16x128xf32>
      %logistic3A_200 = math.exp %logistic3A_199 : vector<16x128xf32>
      %logistic3A_201 = arith.constant 1.000000e+00 : f32
      %logistic3A_202 = vector.broadcast %logistic3A_201 : f32 to vector<16x128xf32>
      %logistic3A_203 = arith.addf %logistic3A_202, %logistic3A_200 : vector<16x128xf32>
      %logistic3A_204 = arith.divf %logistic3A_202, %logistic3A_203 : vector<16x128xf32>
      %mul3A_205 = vector.broadcast %sub3A_191 : f32 to vector<16x128xf32>
      %mul3A_206 = arith.mulf %mul3A_205, %logistic3A_204 : vector<16x128xf32>
      %add3A_207 = arith.addf %add3A_180, %mul3A_206 : vector<16x128xf32>
      %mul3A_208 = arith.constant 15 : i32
      %mul3A_209 = arith.muli %scan3A_19, %mul3A_208 : i32
      %add3A_210 = arith.constant 7 : i32
      %add3A_211 = arith.addi %mul3A_209, %add3A_210 : i32
      %get3A_212 = arith.index_cast %add3A_211 : i32 to index
      %get3A_213 = memref.load %arg0[%get3A_212] : memref<256xf32, #tpu.memory_space<smem>>
      %add3A_214 = arith.constant 1 : i32
      %add3A_215 = arith.addi %add3A_211, %add3A_214 : i32
      %get3A_216 = arith.index_cast %add3A_215 : i32 to index
      %get3A_217 = memref.load %arg0[%get3A_216] : memref<256xf32, #tpu.memory_space<smem>>
      %sub3A_218 = arith.subf %get3A_217, %get3A_213 : f32
      %add3A_219 = arith.addf %get3A_217, %get3A_213 : f32
      %mul3A_220 = arith.constant 5.000000e-01 : f32
      %mul3A_221 = arith.mulf %mul3A_220, %add3A_219 : f32
      %sub3A_222 = vector.broadcast %mul3A_221 : f32 to vector<16x128xf32>
      %sub3A_223 = arith.subf %add3A_11, %sub3A_222 : vector<16x128xf32>
      %mul3A_224 = vector.broadcast %get3A_0 : f32 to vector<16x128xf32>
      %mul3A_225 = arith.mulf %mul3A_224, %sub3A_223 : vector<16x128xf32>
      %logistic3A_226 = arith.negf %mul3A_225 : vector<16x128xf32>
      %logistic3A_227 = math.exp %logistic3A_226 : vector<16x128xf32>
      %logistic3A_228 = arith.constant 1.000000e+00 : f32
      %logistic3A_229 = vector.broadcast %logistic3A_228 : f32 to vector<16x128xf32>
      %logistic3A_230 = arith.addf %logistic3A_229, %logistic3A_227 : vector<16x128xf32>
      %logistic3A_231 = arith.divf %logistic3A_229, %logistic3A_230 : vector<16x128xf32>
      %mul3A_232 = vector.broadcast %sub3A_218 : f32 to vector<16x128xf32>
      %mul3A_233 = arith.mulf %mul3A_232, %logistic3A_231 : vector<16x128xf32>
      %add3A_234 = arith.addf %add3A_207, %mul3A_233 : vector<16x128xf32>
      %mul3A_235 = arith.constant 15 : i32
      %mul3A_236 = arith.muli %scan3A_19, %mul3A_235 : i32
      %add3A_237 = arith.constant 8 : i32
      %add3A_238 = arith.addi %mul3A_236, %add3A_237 : i32
      %get3A_239 = arith.index_cast %add3A_238 : i32 to index
      %get3A_240 = memref.load %arg0[%get3A_239] : memref<256xf32, #tpu.memory_space<smem>>
      %add3A_241 = arith.constant 1 : i32
      %add3A_242 = arith.addi %add3A_238, %add3A_241 : i32
      %get3A_243 = arith.index_cast %add3A_242 : i32 to index
      %get3A_244 = memref.load %arg0[%get3A_243] : memref<256xf32, #tpu.memory_space<smem>>
      %sub3A_245 = arith.subf %get3A_244, %get3A_240 : f32
      %add3A_246 = arith.addf %get3A_244, %get3A_240 : f32
      %mul3A_247 = arith.constant 5.000000e-01 : f32
      %mul3A_248 = arith.mulf %mul3A_247, %add3A_246 : f32
      %sub3A_249 = vector.broadcast %mul3A_248 : f32 to vector<16x128xf32>
      %sub3A_250 = arith.subf %add3A_11, %sub3A_249 : vector<16x128xf32>
      %mul3A_251 = vector.broadcast %get3A_0 : f32 to vector<16x128xf32>
      %mul3A_252 = arith.mulf %mul3A_251, %sub3A_250 : vector<16x128xf32>
      %logistic3A_253 = arith.negf %mul3A_252 : vector<16x128xf32>
      %logistic3A_254 = math.exp %logistic3A_253 : vector<16x128xf32>
      %logistic3A_255 = arith.constant 1.000000e+00 : f32
      %logistic3A_256 = vector.broadcast %logistic3A_255 : f32 to vector<16x128xf32>
      %logistic3A_257 = arith.addf %logistic3A_256, %logistic3A_254 : vector<16x128xf32>
      %logistic3A_258 = arith.divf %logistic3A_256, %logistic3A_257 : vector<16x128xf32>
      %mul3A_259 = vector.broadcast %sub3A_245 : f32 to vector<16x128xf32>
      %mul3A_260 = arith.mulf %mul3A_259, %logistic3A_258 : vector<16x128xf32>
      %add3A_261 = arith.addf %add3A_234, %mul3A_260 : vector<16x128xf32>
      %mul3A_262 = arith.constant 15 : i32
      %mul3A_263 = arith.muli %scan3A_19, %mul3A_262 : i32
      %add3A_264 = arith.constant 9 : i32
      %add3A_265 = arith.addi %mul3A_263, %add3A_264 : i32
      %get3A_266 = arith.index_cast %add3A_265 : i32 to index
      %get3A_267 = memref.load %arg0[%get3A_266] : memref<256xf32, #tpu.memory_space<smem>>
      %add3A_268 = arith.constant 1 : i32
      %add3A_269 = arith.addi %add3A_265, %add3A_268 : i32
      %get3A_270 = arith.index_cast %add3A_269 : i32 to index
      %get3A_271 = memref.load %arg0[%get3A_270] : memref<256xf32, #tpu.memory_space<smem>>
      %sub3A_272 = arith.subf %get3A_271, %get3A_267 : f32
      %add3A_273 = arith.addf %get3A_271, %get3A_267 : f32
      %mul3A_274 = arith.constant 5.000000e-01 : f32
      %mul3A_275 = arith.mulf %mul3A_274, %add3A_273 : f32
      %sub3A_276 = vector.broadcast %mul3A_275 : f32 to vector<16x128xf32>
      %sub3A_277 = arith.subf %add3A_11, %sub3A_276 : vector<16x128xf32>
      %mul3A_278 = vector.broadcast %get3A_0 : f32 to vector<16x128xf32>
      %mul3A_279 = arith.mulf %mul3A_278, %sub3A_277 : vector<16x128xf32>
      %logistic3A_280 = arith.negf %mul3A_279 : vector<16x128xf32>
      %logistic3A_281 = math.exp %logistic3A_280 : vector<16x128xf32>
      %logistic3A_282 = arith.constant 1.000000e+00 : f32
      %logistic3A_283 = vector.broadcast %logistic3A_282 : f32 to vector<16x128xf32>
      %logistic3A_284 = arith.addf %logistic3A_283, %logistic3A_281 : vector<16x128xf32>
      %logistic3A_285 = arith.divf %logistic3A_283, %logistic3A_284 : vector<16x128xf32>
      %mul3A_286 = vector.broadcast %sub3A_272 : f32 to vector<16x128xf32>
      %mul3A_287 = arith.mulf %mul3A_286, %logistic3A_285 : vector<16x128xf32>
      %add3A_288 = arith.addf %add3A_261, %mul3A_287 : vector<16x128xf32>
      %mul3A_289 = arith.constant 15 : i32
      %mul3A_290 = arith.muli %scan3A_19, %mul3A_289 : i32
      %add3A_291 = arith.constant 10 : i32
      %add3A_292 = arith.addi %mul3A_290, %add3A_291 : i32
      %get3A_293 = arith.index_cast %add3A_292 : i32 to index
      %get3A_294 = memref.load %arg0[%get3A_293] : memref<256xf32, #tpu.memory_space<smem>>
      %add3A_295 = arith.constant 1 : i32
      %add3A_296 = arith.addi %add3A_292, %add3A_295 : i32
      %get3A_297 = arith.index_cast %add3A_296 : i32 to index
      %get3A_298 = memref.load %arg0[%get3A_297] : memref<256xf32, #tpu.memory_space<smem>>
      %sub3A_299 = arith.subf %get3A_298, %get3A_294 : f32
      %add3A_300 = arith.addf %get3A_298, %get3A_294 : f32
      %mul3A_301 = arith.constant 5.000000e-01 : f32
      %mul3A_302 = arith.mulf %mul3A_301, %add3A_300 : f32
      %sub3A_303 = vector.broadcast %mul3A_302 : f32 to vector<16x128xf32>
      %sub3A_304 = arith.subf %add3A_11, %sub3A_303 : vector<16x128xf32>
      %mul3A_305 = vector.broadcast %get3A_0 : f32 to vector<16x128xf32>
      %mul3A_306 = arith.mulf %mul3A_305, %sub3A_304 : vector<16x128xf32>
      %logistic3A_307 = arith.negf %mul3A_306 : vector<16x128xf32>
      %logistic3A_308 = math.exp %logistic3A_307 : vector<16x128xf32>
      %logistic3A_309 = arith.constant 1.000000e+00 : f32
      %logistic3A_310 = vector.broadcast %logistic3A_309 : f32 to vector<16x128xf32>
      %logistic3A_311 = arith.addf %logistic3A_310, %logistic3A_308 : vector<16x128xf32>
      %logistic3A_312 = arith.divf %logistic3A_310, %logistic3A_311 : vector<16x128xf32>
      %mul3A_313 = vector.broadcast %sub3A_299 : f32 to vector<16x128xf32>
      %mul3A_314 = arith.mulf %mul3A_313, %logistic3A_312 : vector<16x128xf32>
      %add3A_315 = arith.addf %add3A_288, %mul3A_314 : vector<16x128xf32>
      %mul3A_316 = arith.constant 15 : i32
      %mul3A_317 = arith.muli %scan3A_19, %mul3A_316 : i32
      %add3A_318 = arith.constant 11 : i32
      %add3A_319 = arith.addi %mul3A_317, %add3A_318 : i32
      %get3A_320 = arith.index_cast %add3A_319 : i32 to index
      %get3A_321 = memref.load %arg0[%get3A_320] : memref<256xf32, #tpu.memory_space<smem>>
      %add3A_322 = arith.constant 1 : i32
      %add3A_323 = arith.addi %add3A_319, %add3A_322 : i32
      %get3A_324 = arith.index_cast %add3A_323 : i32 to index
      %get3A_325 = memref.load %arg0[%get3A_324] : memref<256xf32, #tpu.memory_space<smem>>
      %sub3A_326 = arith.subf %get3A_325, %get3A_321 : f32
      %add3A_327 = arith.addf %get3A_325, %get3A_321 : f32
      %mul3A_328 = arith.constant 5.000000e-01 : f32
      %mul3A_329 = arith.mulf %mul3A_328, %add3A_327 : f32
      %sub3A_330 = vector.broadcast %mul3A_329 : f32 to vector<16x128xf32>
      %sub3A_331 = arith.subf %add3A_11, %sub3A_330 : vector<16x128xf32>
      %mul3A_332 = vector.broadcast %get3A_0 : f32 to vector<16x128xf32>
      %mul3A_333 = arith.mulf %mul3A_332, %sub3A_331 : vector<16x128xf32>
      %logistic3A_334 = arith.negf %mul3A_333 : vector<16x128xf32>
      %logistic3A_335 = math.exp %logistic3A_334 : vector<16x128xf32>
      %logistic3A_336 = arith.constant 1.000000e+00 : f32
      %logistic3A_337 = vector.broadcast %logistic3A_336 : f32 to vector<16x128xf32>
      %logistic3A_338 = arith.addf %logistic3A_337, %logistic3A_335 : vector<16x128xf32>
      %logistic3A_339 = arith.divf %logistic3A_337, %logistic3A_338 : vector<16x128xf32>
      %mul3A_340 = vector.broadcast %sub3A_326 : f32 to vector<16x128xf32>
      %mul3A_341 = arith.mulf %mul3A_340, %logistic3A_339 : vector<16x128xf32>
      %add3A_342 = arith.addf %add3A_315, %mul3A_341 : vector<16x128xf32>
      %mul3A_343 = arith.constant 15 : i32
      %mul3A_344 = arith.muli %scan3A_19, %mul3A_343 : i32
      %add3A_345 = arith.constant 12 : i32
      %add3A_346 = arith.addi %mul3A_344, %add3A_345 : i32
      %get3A_347 = arith.index_cast %add3A_346 : i32 to index
      %get3A_348 = memref.load %arg0[%get3A_347] : memref<256xf32, #tpu.memory_space<smem>>
      %add3A_349 = arith.constant 1 : i32
      %add3A_350 = arith.addi %add3A_346, %add3A_349 : i32
      %get3A_351 = arith.index_cast %add3A_350 : i32 to index
      %get3A_352 = memref.load %arg0[%get3A_351] : memref<256xf32, #tpu.memory_space<smem>>
      %sub3A_353 = arith.subf %get3A_352, %get3A_348 : f32
      %add3A_354 = arith.addf %get3A_352, %get3A_348 : f32
      %mul3A_355 = arith.constant 5.000000e-01 : f32
      %mul3A_356 = arith.mulf %mul3A_355, %add3A_354 : f32
      %sub3A_357 = vector.broadcast %mul3A_356 : f32 to vector<16x128xf32>
      %sub3A_358 = arith.subf %add3A_11, %sub3A_357 : vector<16x128xf32>
      %mul3A_359 = vector.broadcast %get3A_0 : f32 to vector<16x128xf32>
      %mul3A_360 = arith.mulf %mul3A_359, %sub3A_358 : vector<16x128xf32>
      %logistic3A_361 = arith.negf %mul3A_360 : vector<16x128xf32>
      %logistic3A_362 = math.exp %logistic3A_361 : vector<16x128xf32>
      %logistic3A_363 = arith.constant 1.000000e+00 : f32
      %logistic3A_364 = vector.broadcast %logistic3A_363 : f32 to vector<16x128xf32>
      %logistic3A_365 = arith.addf %logistic3A_364, %logistic3A_362 : vector<16x128xf32>
      %logistic3A_366 = arith.divf %logistic3A_364, %logistic3A_365 : vector<16x128xf32>
      %mul3A_367 = vector.broadcast %sub3A_353 : f32 to vector<16x128xf32>
      %mul3A_368 = arith.mulf %mul3A_367, %logistic3A_366 : vector<16x128xf32>
      %add3A_369 = arith.addf %add3A_342, %mul3A_368 : vector<16x128xf32>
      %mul3A_370 = arith.constant 15 : i32
      %mul3A_371 = arith.muli %scan3A_19, %mul3A_370 : i32
      %add3A_372 = arith.constant 13 : i32
      %add3A_373 = arith.addi %mul3A_371, %add3A_372 : i32
      %get3A_374 = arith.index_cast %add3A_373 : i32 to index
      %get3A_375 = memref.load %arg0[%get3A_374] : memref<256xf32, #tpu.memory_space<smem>>
      %add3A_376 = arith.constant 1 : i32
      %add3A_377 = arith.addi %add3A_373, %add3A_376 : i32
      %get3A_378 = arith.index_cast %add3A_377 : i32 to index
      %get3A_379 = memref.load %arg0[%get3A_378] : memref<256xf32, #tpu.memory_space<smem>>
      %sub3A_380 = arith.subf %get3A_379, %get3A_375 : f32
      %add3A_381 = arith.addf %get3A_379, %get3A_375 : f32
      %mul3A_382 = arith.constant 5.000000e-01 : f32
      %mul3A_383 = arith.mulf %mul3A_382, %add3A_381 : f32
      %sub3A_384 = vector.broadcast %mul3A_383 : f32 to vector<16x128xf32>
      %sub3A_385 = arith.subf %add3A_11, %sub3A_384 : vector<16x128xf32>
      %mul3A_386 = vector.broadcast %get3A_0 : f32 to vector<16x128xf32>
      %mul3A_387 = arith.mulf %mul3A_386, %sub3A_385 : vector<16x128xf32>
      %logistic3A_388 = arith.negf %mul3A_387 : vector<16x128xf32>
      %logistic3A_389 = math.exp %logistic3A_388 : vector<16x128xf32>
      %logistic3A_390 = arith.constant 1.000000e+00 : f32
      %logistic3A_391 = vector.broadcast %logistic3A_390 : f32 to vector<16x128xf32>
      %logistic3A_392 = arith.addf %logistic3A_391, %logistic3A_389 : vector<16x128xf32>
      %logistic3A_393 = arith.divf %logistic3A_391, %logistic3A_392 : vector<16x128xf32>
      %mul3A_394 = vector.broadcast %sub3A_380 : f32 to vector<16x128xf32>
      %mul3A_395 = arith.mulf %mul3A_394, %logistic3A_393 : vector<16x128xf32>
      %add3A_396 = arith.addf %add3A_369, %mul3A_395 : vector<16x128xf32>
      %mul3A_397 = arith.constant 15 : i32
      %mul3A_398 = arith.muli %scan3A_19, %mul3A_397 : i32
      %add3A_399 = arith.constant 14 : i32
      %add3A_400 = arith.addi %mul3A_398, %add3A_399 : i32
      %get3A_401 = arith.index_cast %add3A_400 : i32 to index
      %get3A_402 = memref.load %arg0[%get3A_401] : memref<256xf32, #tpu.memory_space<smem>>
      %add3A_403 = arith.constant 1 : i32
      %add3A_404 = arith.addi %add3A_400, %add3A_403 : i32
      %get3A_405 = arith.index_cast %add3A_404 : i32 to index
      %get3A_406 = memref.load %arg0[%get3A_405] : memref<256xf32, #tpu.memory_space<smem>>
      %sub3A_407 = arith.subf %get3A_406, %get3A_402 : f32
      %add3A_408 = arith.addf %get3A_406, %get3A_402 : f32
      %mul3A_409 = arith.constant 5.000000e-01 : f32
      %mul3A_410 = arith.mulf %mul3A_409, %add3A_408 : f32
      %sub3A_411 = vector.broadcast %mul3A_410 : f32 to vector<16x128xf32>
      %sub3A_412 = arith.subf %add3A_11, %sub3A_411 : vector<16x128xf32>
      %mul3A_413 = vector.broadcast %get3A_0 : f32 to vector<16x128xf32>
      %mul3A_414 = arith.mulf %mul3A_413, %sub3A_412 : vector<16x128xf32>
      %logistic3A_415 = arith.negf %mul3A_414 : vector<16x128xf32>
      %logistic3A_416 = math.exp %logistic3A_415 : vector<16x128xf32>
      %logistic3A_417 = arith.constant 1.000000e+00 : f32
      %logistic3A_418 = vector.broadcast %logistic3A_417 : f32 to vector<16x128xf32>
      %logistic3A_419 = arith.addf %logistic3A_418, %logistic3A_416 : vector<16x128xf32>
      %logistic3A_420 = arith.divf %logistic3A_418, %logistic3A_419 : vector<16x128xf32>
      %mul3A_421 = vector.broadcast %sub3A_407 : f32 to vector<16x128xf32>
      %mul3A_422 = arith.mulf %mul3A_421, %logistic3A_420 : vector<16x128xf32>
      %add3A_423 = arith.addf %add3A_396, %mul3A_422 : vector<16x128xf32>
      scf.yield %add3A_423 : vector<16x128xf32>
    }
    %scan3A_16 = arith.constant 17 : i32
    %swap3A = arith.constant 0 : index
    %swap3A_17 = arith.constant 0 : index
    %swap3A_18 = vector.load %arg2[%swap3A, %swap3A_17] : memref<16x128xf32, #tpu.memory_space<vmem>>, vector<16x128xf32>
    tpu.vector_store %arg2[%swap3A, %swap3A_17], %scan3A_15 {strides = array<i32>} : memref<16x128xf32, #tpu.memory_space<vmem>>, vector<16x128xf32>,
    return
  }
}

</mosaic_0001>

<sc_bundles>
// kernel: kernel.4.cloned.1.call-start
scs
__scs_entry_jumppad:
0x0: {  	(pc) =	sbr.rel $0x88, $3  }
0x1: {  	(tag) =	ssettag $0x0;
	lr =	simm.s32 $0x1  }
0x2: {  	[smem:$0x3F9E] =	sst lr;
	_ =	strace $0xD0000000  }
0x3: {  	_ = 	snop  }
0x4: {  	_ = 	snop  }
0x5: {  	_ = 	snop  }
0x6: {  	_ = 	snop  }
0x7: {  	_ = 	snop  }
__scs_overlays_trampoline_lowered:
0x8: {  	[smem:$0x3FAD] =	sst s0  }
0x9: {  	[smem:$0x3FAE] =	sst s1  }
0xa: {  	[smem:$0x3FAF] =	sst s2  }
0xb: {  	[smem:$0x3FB0] =	sst s3  }
0xc: {  	[smem:$0x3FB1] =	sst s4  }
0xd: {  	[smem:$0x3FB2] =	sst s5  }
0xe: {  	[smem:$0x3FB3] =	sst s6  }
0xf: {  	[smem:$0x3FB4] =	sst s7  }
0x10: {  	[smem:$0x3FB5] =	sst s8  }
0x11: {  	[smem:$0x3FB6] =	sst s9;
	s0 =	simm.s32 @!p0 $0x0  }
0x12: {  	s1 =	sld [smem:$0x3F9C];
	s0 =	simm.s32 @p0 $0x1  }
0x13: {  	[smem:$0x3FB7] =	sst s0;
	s0 =	simm.s32 @!p1 $0x0  }
0x14: {  	s2 =	sld [smem:$0x3F9B];
	s0 =	simm.s32 @p1 $0x1  }
0x15: {  	[smem:$0x3FB8] =	sst s0;
	s0 =	simm.s32 @!p2 $0x0  }
0x16: {  	s3 =	sld [smem:$0x3FDB];
	s0 =	simm.s32 @p2 $0x1  }
0x17: {  	s4 =	simm.s32 $0x1BF5;
	[smem:$0x3FBA] =	sst s0  }
0x18: {  	s0 =	sld [smem:$0x3F9D];
	_ =	swait.ge [sflag:s4], $0x0  }
0x19: {  	s7 =	sld [smem:$0x3F9E]  }
0x1a: {  	s8 =	sadd.s32 $0xFFFFE003, lr  }
0x1b: {  	s9 =	sadd.s32 $0xFFFFFEF7, lr;
	s5 =	simm.s32 $0xFFFFFFFF;
	p2 =	slt.u32 s8, $0xFFFFF086  }
0x1c: {  	p1 =	slt.u32 s9, $0xF7A;
	s5 =	simm.s32 @!p2 $0x0  }
0x1d: {  	s5 =	simm.s32 @p1 $0x1;
	p0 =	seq.s32 s7, s2  }
0x1e: {  	s7 =	smul.u32 @!p0 $0xF7A, s2;
	p2 =	seq.s32 @!p0 s5, $0x0  }
0x1f: {  	s9 =	smul.u32 $0xF7A, s1;
	s8 =	simm.s32 @!p0 $0x1BF5;
	p2 =	por !p2, p0  }
0x20: {  	[sflag:s8] =	ssyncset.s32 @!p0 $0xFFFFF086;
	s6 =	sadd.s32 @!p0 s3, s7;
	s7 =	simm.s32 @!p0 $0x108  }
0x21: {  	s3 =	sadd.s32 s3, s9;
	s6 =	sadd.s32 @!p0 $0x88, s6;
	s7 =	simm.s32 @p2 $0x1082  }
0x22: {  	[simem:s7], [sflag:s8] =	dma.local @!p0 [hbm:s6], $0xF7A  }
0x23: {  	s9 =	sor.u32 $0xD0000000, s2;
	s6 =	simm.s32 $0x108;
	_ =	swait.ge @!p0 [sflag:s8], $0x0  }
0x24: {  	s3 =	sadd.s32 $0x88, s3;
	s6 =	simm.s32 @!p1 $0x1082;
	[sflag:s4] =	ssyncset.s32 $0xFFFFF086  }
0x25: {  	[simem:s6], [sflag:s4] =	dma.local [hbm:s3], $0xF7A  }
0x26: {  	[smem:$0x3F9E] =	sst s1;
	(tag) =	ssettag s2;
	_ =	strace s9  }
0x27: {  	s1 =	sld [smem:$0x3FAE]  }
0x28: {  	s2 =	sld [smem:$0x3FAF]  }
0x29: {  	s4 =	sld [smem:$0x3FB1]  }
0x2a: {  	p0 =	seq.s32 s5, $0x0;
	s5 =	sld [smem:$0x3FB2]  }
0x2b: {  	s6 =	sld [smem:$0x3FB3]  }
0x2c: {  	s7 =	sld [smem:$0x3FB4]  }
0x2d: {  	s3 =	simm.s32 $0x108;
	s8 =	sld [smem:$0x3FB5]  }
0x2e: {  	s3 =	simm.s32 @!p0 $0x1082;
	s9 =	sld [smem:$0x3FB6]  }
0x2f: {  	lr =	sadd.s32 s0, s3;
	s0 =	sld [smem:$0x3FAD]  }
0x30: {  	s3 =	sld [smem:$0x3FB0]  }
0x31: {  	[smem:$0x3FB9] =	sst s10  }
0x32: {  	s10 =	sld [smem:$0x3FB7];
	_ =	sdelay $0x3  }
0x33: {  	p0 =	seq.s32 s10, $0x1;
	s10 =	sld [smem:$0x3FB9];
	_ =	sdelay $0x3  }
0x34: {  	[smem:$0x3FB9] =	sst s10  }
0x35: {  	s10 =	sld [smem:$0x3FB8];
	_ =	sdelay $0x3  }
0x36: {  	p1 =	seq.s32 s10, $0x1;
	s10 =	sld [smem:$0x3FB9];
	_ =	sdelay $0x3  }
0x37: {  	[smem:$0x3FB9] =	sst s10  }
0x38: {  	s10 =	sld [smem:$0x3FBA]  }
0x39: {  	_ = 	snop;
	(pc) =	sbr.ind lr, $3  }
0x3a: {  	_ = 	snop  }
0x3b: {  	_ = 	snop  }
0x3c: {  	p2 =	seq.s32 s10, $0x1;
	s10 =	sld [smem:$0x3FB9]  }
0x3d: {  	_ =	shalt  }
0x3e: {  	_ =	shalt  }
0x3f: {  	_ =	shalt  }
0x40: {  	_ =	shalt  }
0x41: {  	_ =	shalt  }
0x42: {  	_ =	shalt  }
0x43: {  	_ =	shalt  }
0x44: {  	_ =	shalt  }
0x45: {  	_ =	shalt  }
0x46: {  	_ =	shalt  }
0x47: {  	_ =	shalt  }
0x48: {  	_ =	shalt  }
0x49: {  	_ =	shalt  }
0x4a: {  	_ =	shalt  }
0x4b: {  	_ =	shalt  }
0x4c: {  	_ =	shalt  }
0x4d: {  	_ =	shalt  }
0x4e: {  	_ =	shalt  }
0x4f: {  	_ =	shalt  }
0x50: {  	_ =	shalt  }
0x51: {  	_ =	shalt  }
0x52: {  	_ =	shalt  }
0x53: {  	_ =	shalt  }
0x54: {  	_ =	shalt  }
0x55: {  	_ =	shalt  }
0x56: {  	_ =	shalt  }
0x57: {  	_ =	shalt  }
0x58: {  	_ =	shalt  }
0x59: {  	_ =	shalt  }
0x5a: {  	_ =	shalt  }
0x5b: {  	_ =	shalt  }
0x5c: {  	_ =	shalt  }
0x5d: {  	_ =	shalt  }
0x5e: {  	_ =	shalt  }
0x5f: {  	_ =	shalt  }
0x60: {  	_ =	shalt  }
0x61: {  	_ =	shalt  }
0x62: {  	_ =	shalt  }
0x63: {  	_ =	shalt  }
0x64: {  	_ =	shalt  }
0x65: {  	_ =	shalt  }
0x66: {  	_ =	shalt  }
0x67: {  	_ =	shalt  }
0x68: {  	_ =	shalt  }
0x69: {  	_ =	shalt  }
0x6a: {  	_ =	shalt  }
0x6b: {  	_ =	shalt  }
0x6c: {  	_ =	shalt  }
0x6d: {  	_ =	shalt  }
0x6e: {  	_ =	shalt  }
0x6f: {  	_ =	shalt  }
0x70: {  	_ =	shalt  }
0x71: {  	_ =	shalt  }
0x72: {  	_ =	shalt  }
0x73: {  	_ =	shalt  }
0x74: {  	_ =	shalt  }
0x75: {  	_ =	shalt  }
0x76: {  	_ =	shalt  }
0x77: {  	_ =	shalt  }
0x78: {  	_ =	shalt  }
0x79: {  	_ =	shalt  }
0x7a: {  	_ =	shalt  }
0x7b: {  	_ =	shalt  }
0x7c: {  	_ =	shalt  }
0x7d: {  	_ =	shalt  }
0x7e: {  	_ =	shalt  }
0x7f: {  	_ =	shalt  }
0x80: {  	_ =	shalt  }
0x81: {  	_ =	shalt  }
0x82: {  	_ =	shalt  }
0x83: {  	_ =	shalt  }
0x84: {  	_ =	shalt  }
0x85: {  	_ =	shalt  }
0x86: {  	_ =	shalt  }
0x87: {  	_ =	shalt  }
.Lfunc_end0:
.L_simem_size_0:
called_computation_lowered:
.L_overlay_start_0:
0x88: {  	s2 =	sld [smem:$0x3FD9]  }
0x89: {  	s3 =	sld [smem:$0x3FFE];
	_ =	sdelay $0x1  }
0x8a: {  	s1 =	srdreg.scid  }
0x8b: {  	s0 =	sand.u32 $0x1, s1  }
0x8c: {  	s17 =	sshll.u32 s0, $0xA;
	s2 =	sadd.s32 s3, s2  }
0x8d: {  	s2 =	sadd.s32 s2, s17  }
0x8e: {  	[smem:$0x3FC5] =	sst s2  }
0x8f: {  	_ = 	snop  }
0x90: {  	s2 =	sld [smem:$0x3FC9]  }
0x91: {  	s18 =	sld [smem:$0x3FD0];
	(tm) =	ssettm $0x1  }
0x92: {  	s4 =	sld [smem:$0x3FFB];
	_ =	sdelay $0x3  }
0x93: {  	_ =	strace s4  }
0x94: {  	s4 =	sld [smem:$0x3FFC];
	_ =	sdelay $0x3  }
0x95: {  	_ =	strace s4  }
0x96: {  	s4 =	sld [smem:$0x3FFD];
	_ =	sdelay $0x3  }
0x97: {  	_ =	strace s4  }
0x98: {  	_ =	strace $0x8FFFFFFF  }
0x99: {  	s19 =	sld [smem:$0x3FDB];
	_ =	sdelay $0x1  }
0x9a: {  	s5 =	simm.s32 $_scs_section_size  }
0x9b: {  	s6 =	simm.s32 $_size__tile_overlayer_lowered;
	s7 =	simm.s32 $_tile_overlayer_lowered  }
0x9c: {  	s22 =	simm.s32 $0x1BFF;
	s21 =	sshll.u32 s7, $0x1;
	s4 =	sadd.s32 s5, s19  }
0x9d: {  	s8 =	simm.s32 $0x0;
	s20 =	sshll.u32 s6, $0x1;
	s6 =	sadd.s32 s21, s4  }
0x9e: {  	[timem:s8], [sflag:s22] =	dma.local [hbm:s6], s20  }
0x9f: {  	_ =	swait.ge [sflag:s22], s20  }
0xa0: {  	s5 =	ssub.s32 $0x0, s20;
	[sflag:s22] =	ssyncset.done $0x0  }
0xa1: {  	[sflag:s22] =	ssyncadd.s32 s5;
	_ =	sdelay $0x1  }
0xa2: {  	s23 =	simm.s32 $0x1B8B  }
0xa3: {  	_ =	swait.ge [sflag:s23], $0x1  }
0xa4: {  	[sflag:s23] =	ssyncset.done $0x0  }
0xa5: {  	s25 =	simm.s32 $0x1B8E;
	s24 =	sld [smem:$0x3FFE];
	[sflag:s23] =	ssyncadd.s32 $0xFFFFFFFF  }
0xa6: {  	s26 =	simm.s32 $execute0_lowered;
	[smem:$0x3FD2] =	sst s25  }
0xa7: {  	s6 =	sshll.u32 s26, $0x1;
	_ =	strace $0x80000046;
	[dreg:$0x1] =	wrdreg $0xFFFFFFFF  }
0xa8: {  	s28 =	simm.s32 $_size_execute0_lowered;
	s4 =	sadd.s32 s4, s6;
	[dreg:$0x0] =	wrdreg $0x0  }
0xa9: {  	s6 =	sshll.u32 s28, $0x1;
	[dreg:$0x2] =	wrdreg s4  }
0xaa: {  	[dreg:$0x3] =	wrdreg s6  }
0xab: {  	[dreg:$0x4] =	wrdreg $0xC0  }
0xac: {  	_ =	task [dreg:s8], $0x5FFFF  }
0xad: {  	[dreg:$0x1] =	wrdreg $0xFFFFFFFF  }
0xae: {  	[dreg:$0x0] =	wrdreg $0x60  }
0xaf: {  	[dreg:$0x2] =	wrdreg s2  }
0xb0: {  	[dreg:$0x3] =	wrdreg s24  }
0xb1: {  	[dreg:$0x4] =	wrdreg s18  }
0xb2: {  	[dreg:$0x5] =	wrdreg $0x80000  }
0xb3: {  	[dreg:$0x6] =	wrdreg $0x9  }
0xb4: {  	_ =	task.clear_ibuf [dreg:s8], $0x7FFFF;
	_ =	strace $0x90000046  }
0xb5: {  	s29 =	simm.s32 $0x9;
	_ =	strace $0x80000048  }
0xb6: {  	_ =	swait.ge [sflag:s29], $0x1  }
0xb7: {  	[sflag:s29] =	ssyncadd.s32 $0xFFFFFFFF  }
0xb8: {  	_ =	strace $0x90000048  }
0xb9: {  	_ =	sfence  }
0xba: {  	s30 =	sld [smem:$0x0];
	_ =	sdelay $0x2  }
0xbb: {  	s31 =	sshll.u32 s1, $0xD;
	s1 =	sshrl.u32 s1, $0x2  }
0xbc: {  	s3 =	sand.u32 $0x4000, s31;
	s1 =	sadd.s32 s1, s30  }
0xbd: {  	s0 =	sor.u32 s3, s0;
	s1 =	sshll.u32 s1, $0x11  }
0xbe: {  	s0 =	sor.u32 s1, s0  }
0xbf: {  	s0 =	sadd.s32 $0x8F2B, s0  }
0xc0: {  	[sflag:s0] =	ssyncadd.remote.s32 $0x1  }
0xc1: {  	_ =	sfence.sel $0xFFFF  }
0xc2: {  	[dreg:$0x0] =	wrdreg $0xFFFFFFFF;
	(pc) =	sbr.abs _section_cstart, $3  }
0xc3: {  	[dreg:$0x1] =	wrdreg $0xFFFFFFFF  }
0xc4: {  	_ =	task.clear_ibuf [dreg:s8], $0x2FFFF;
	_ =	strace $0x9FFFFFFF  }
0xc5: {  	(tm) =	ssettm $0x7FFFFFFF  }
tec
execute0_lowered:
.L_overlay_start_1:
0x0: {  	(tag) =	ssettag $0x1  }
0x1: {  	s6 =	rddreg [dreg:$0x0]  }
0x2: {  	s0 =	srdreg.scid;
	s5 =	rddreg [dreg:$0x1]  }
0x3: {  	s10 =	stileid.u32;
	s8 =	rddreg [dreg:$0x2]  }
0x4: {  	s2 =	simm.s32 $0x1;
	s13 =	simm.s32 $0x4;
	s3 =	sand.u32 $0x1, s0  }
0x5: {  	s14 =	simm.s32 $0x4400;
	s15 =	simm.s32 $0x2;
	s0 =	sshll.u32 s3, $0x4  }
0x6: {  	s16 =	simm.s32 $0x3;
	s4 =	sand.u32 $0x7, s10;
	s1 =	sor.u32 s10, s0  }
0x7: {  	s17 =	simm.s32 $0x6C00;
	p1 =	sne.s32 s4, $0x0;
	p0 =	seq.s32 s1, $0x0  }
0x8: {  	s18 =	simm.s32 $0x0;
	s9 =	smul.u32 $0x18, s4;
	p0 =	por !p1, !p0  }
0x9: {  	s11 =	ssub.s32 $0x2, s3;
	s4 =	smul.u32 $0x3C00, s4;
	p0 =	por !p0, !p0  }
0xa: {  	s7 =	sshrl.u32 s1, $0x3;
	s9 =	sshrl.u32 s9, $0x3;
	s2 =	simm.s32 @!p0 $0x0  }
0xb: {  	s0 =	rddreg [dreg:$0x3];
	s9 =	smul.u32 $0x1400, s9;
	s7 =	ssub.s32 s7, s2  }
0xc: {  	s28 =	sshrl.u32 s11, $0x1;
	s2 =	simm.s32 $0x0;
	s7 =	smul.u32 $0x1E000, s7  }
0xd: {  	s3 =	sadd.s32 $0x800, s5;
	s11 =	ssub.s32 s11, s28;
	[smem:$0x7FF] =	sst s2  }
0xe: {  	p0 =	sne.s32 s10, $0x0;
	_ =	strace $0x80000047;
	s9 =	sadd.s32 s7, s9  }
0xf: {  	s29 =	sadd.s32 s4, s7;
	s4 =	simm.s32 $0x1;
	s30 =	sadd.s32 $0x2800, s9  }
0x10: {  	s31 =	sshrl.u32 s29, $0x3;
	s9 =	smax.u32 s11, $0x1;
	s11 =	simm.s32 $0x3000  }
0x11: {  	s12 =	sshrl.u32 s30, $0x3;
	s5 =	sadd.s32 s6, s31;
	s7 =	sadd.s32 s8, s31  }
0x12: {  	s6 =	sadd.s32 s6, s12;
	s8 =	sadd.s32 s8, s12;
	s12 =	sshrl.u32 @!p0 s0, $0x3  }
.LBB2_1:
0x13: {  	s1 =	simm.s32 $0x800;
	s28 =	simm.s32 $0x0  }
0x14: {  	[tilespmem:s1], [sflag:$0x1] =	stream.linear.gather [hbm4b:s5+s2], $0x2800, $0x38;
	[tilespmem:$0x8080] =	vst v63  }
0x15: {  	s20 =	sor.u32 $0x1, s28  }
0x16: {  	s19 =	simm.s32 @!p0 $0x1C04;
	s21 =	sand.u32 $0xFF, s20  }
0x17: {  	[tilespmem:s11], [sflag:$0x2] =	stream.linear.gather [hbm4b:s6+s2], $0x1400, $0x38;
	[tilespmem:$0x8080] =	vst v63  }
0x18: {  	[spmem:s12], [sflag:s19] =	dma.local @!p0 [hbm:s3], $0x100  }
0x19: {  	s21 =	smul.u32 $0x39, s21;
	s19 =	simm.s32 @!p0 $0x4  }
0x1a: {  	_ =	swait.ge @!p0 [sflag:s19], $0x100  }
0x1b: {  	s22 =	sshrl.u32 s21, $0x9;
	[sflag:s19] =	ssyncset.done @!p0 $0x0  }
0x1c: {  	s29 =	sshrl.u32 s21, $0xC;
	s21 =	sshrl.u32 s21, $0x2;
	[sflag:s19] =	ssyncadd.s32 @!p0 $0xFFFFFF00  }
0x1d: {  	s22 =	smul.u32 $0x9, s22;
	s21 =	sand.u32 $0x380, s21;
	[bflag:$0x0] =	sbarrier.arrive $0xFFFF  }
0x1e: {  	[tilespmem:s2], [sflag:$0x4] =	stream.linear.gather [spmem:s0], $0x800, $0x38;
	[tilespmem:$0x8080] =	vst v63  }
0x1f: {  	s19 =	smul.u32 $0x39, s28;
	s20 =	ssub.s32 s20, s22;
	_ =	swait.ge [sflag:s13], $0x800  }
0x20: {  	s22 =	smul.u32 $0x1400, s29;
	s23 =	sshll.u32 s20, $0x6;
	[sflag:s13] =	ssyncset.done $0x0  }
0x21: {  	s20 =	sshll.u32 s20, $0x9;
	s24 =	sshrl.u32 s19, $0x9;
	[sflag:s13] =	ssyncadd.s32 $0xFFFFF800  }
0x22: {  	s23 =	sand.u32 $0x40, s23;
	s20 =	sand.u32 $0x1C00, s20;
	_ =	swait.ge [sflag:s4], $0x2800  }
0x23: {  	s20 =	sadd.s32 s20, s22;
	s21 =	sor.u32 s23, s21;
	[sflag:s4] =	ssyncset.done $0x0  }
0x24: {  	s30 =	sand.u32 $0x7F, s24;
	s25 =	sor.u32 s20, s21;
	[sflag:s4] =	ssyncadd.s32 $0xFFFFD800  }
0x25: {  	s31 =	smul.u32 $0x9, s30;
	v0 =	vld [tilespmem:s25+$0x800];
	_ =	sdelay $0x1  }
0x26: {  	s19 =	sshrl.u32 s19, $0x2;
	s1 =	sshrl.u32 s30, $0x3;
	s20 =	ssub.s32 $0x0, s31  }
0x27: {  	s21 =	smul.u32 $0x1400, s1;
	s10 =	sshll.u32 s20, $0x6;
	s20 =	sshll.u32 s20, $0x9  }
0x28: {  	s19 =	sand.u32 $0x380, s19;
	s22 =	sand.u32 $0x40, s10;
	s20 =	sand.u32 $0x1C00, s20  }
0x29: {  	s19 =	sor.u32 s22, s19;
	s20 =	sadd.s32 s20, s21;
	v0 =	vmax.f32 v0, $-8.000000000e+00  }
0x2a: {  	s19 =	sor.u32 s20, s19;
	v0 =	vmin.f32 v0, $8.000000000e+00  }
0x2b: {  	v1 =	vld [tilespmem:s19+$0x800];
	v0 =	vadd.f32 $8.000000000e+00, v0;
	_ =	sdelay $0x1  }
0x2c: {  	v0 =	vmul.f32 $1.279375000e+02, v0;
	_ =	sdelay $0x1  }
0x2d: {  	s23 =	simm.s32 $0x2;
	v2 =	vtrunc.f32 v0  }
0x2e: {  	v3 =	vld [tilespmem:s25+$0x810];
	s20 =	sor.u32 $0x1, s23;
	v1 =	vmax.f32 v1, $-8.000000000e+00;
	v2 =	vcvt.f32.s32 v2  }
0x2f: {  	v4 =	vld [tilespmem:s19+$0x810];
	s28 =	sand.u32 $0xFF, s20;
	v1 =	vmin.f32 v1, $8.000000000e+00  }
0x30: {  	s22 =	smul.u32 $0x39, s28;
	v1 =	vadd.f32 $8.000000000e+00, v1;
	vm0 =	vlt.s32 v2, $0x7FE  }
0x31: {  	v2 =	vnsel vm0, $0x7FE, v2  }
0x32: {  	s24 =	smul.u32 $0x39, s23;
	s26 =	sshrl.u32 s22, $0x9;
	v1 =	vmul.f32 $1.279375000e+02, v1;
	v5 =	vadd.s32 $0x1, v2  }
0x33: {  	v3 =	vmax.f32 v3, $-8.000000000e+00;
	s26 =	smul.u32 $0x9, s26  }
0x34: {  	s29 =	sshrl.u32 s24, $0x9;
	v7 =	vld [tilespmem:s19+$0x820];
	s28 =	sshrl.u32 s24, $0x2;
	v3 =	vmin.f32 v3, $8.000000000e+00;
	v4 =	vmax.f32 v4, $-8.000000000e+00;
	v6 =	vtrunc.f32 v1  }
0x35: {  	s10 =	sshrl.u32 s22, $0xC;
	s22 =	sshrl.u32 s22, $0x2;
	v3 =	vadd.f32 $8.000000000e+00, v3;
	v4 =	vmin.f32 v4, $8.000000000e+00;
	s20 =	ssub.s32 s20, s26;
	v6 =	vcvt.f32.s32 v6  }
0x36: {  	s24 =	smul.u32 $0x1400, s10;
	v4 =	vadd.f32 $8.000000000e+00, v4;
	s26 =	sshll.u32 s20, $0x6;
	s20 =	sshll.u32 s20, $0x9;
	v8 =	vld.idx.msk [tilespmem:v2+s2+$0x0], $0xffff  }
0x37: {  	s22 =	sand.u32 $0x380, s22;
	v9 =	vmul.f32 $1.279375000e+02, v3;
	s26 =	sand.u32 $0x40, s26;
	s20 =	sand.u32 $0x1C00, s20;
	vm11 =	vlt.s32 v6, $0x7FE;
	v5 =	vld.idx.msk [tilespmem:v5+s2+$0x0], $0xffff  }
0x38: {  	v3 =	vmul.f32 $1.279375000e+02, v4;
	s20 =	sadd.s32 s20, s24;
	s26 =	sor.u32 s26, s22;
	v6 =	vnsel vm11, $0x7FE, v6  }
0x39: {  	v7 =	vmax.f32 v7, $-8.000000000e+00;
	v10 =	vtrunc.f32 v9;
	s21 =	sor.u32 s20, s26;
	v4 =	vadd.s32 $0x1, v6  }
0x3a: {  	v7 =	vmin.f32 v7, $8.000000000e+00;
	v11 =	vtrunc.f32 v3;
	v20 =	vld [tilespmem:s21+$0x810];
	v2 =	vcvt.s32.f32 v2  }
0x3b: {  	v7 =	vadd.f32 $8.000000000e+00, v7;
	v10 =	vcvt.f32.s32 v10;
	v11 =	vcvt.f32.s32 v11  }
0x3c: {  	v0 =	vsub.f32 v0, v2;
	v2 =	vsub.f32 v5, v8;
	v5 =	vld [tilespmem:s25+$0x820]  }
0x3d: {  	v12 =	vld [tilespmem:s19+$0x830];
	v7 =	vmul.f32 $1.279375000e+02, v7;
	vm12 =	vlt.s32 v10, $0x7FE;
	vm13 =	vlt.s32 v11, $0x7FE  }
0x3e: {  	v11 =	vnsel vm13, $0x7FE, v11;
	v4 =	vld.idx.msk [tilespmem:v4+s2+$0x0], $0xffff;
	v0 =	vmul.f32 v0, v2;
	v2 =	vnsel vm12, $0x7FE, v10  }
0x3f: {  	v20 =	vmax.f32 v20, $-8.000000000e+00;
	v10 =	vcvt.s32.f32 v6;
	v6 =	vld.idx.msk [tilespmem:v6+s2+$0x0], $0xffff;
	v13 =	vadd.s32 $0x1, v2  }
0x40: {  	s23 =	sand.u32 $0x7F, s29;
	v14 =	vadd.s32 $0x1, v11;
	v20 =	vmin.f32 v20, $8.000000000e+00;
	v0 =	vadd.f32 v0, v8  }
0x41: {  	s30 =	smul.u32 $0x9, s23;
	v20 =	vadd.f32 $8.000000000e+00, v20;
	v1 =	vsub.f32 v1, v10;
	v5 =	vmax.f32 v5, $-8.000000000e+00  }
0x42: {  	v10 =	vmax.f32 v12, $-8.000000000e+00;
	v12 =	vtrunc.f32 v7;
	[tilespmem:s25+$0x4400] =	vst v0;
	v0 =	vmin.f32 v5, $8.000000000e+00  }
0x43: {  	s31 =	sshrl.u32 s23, $0x3;
	s1 =	ssub.s32 $0x2, s30;
	v8 =	vcvt.s32.f32 v11;
	v5 =	vcvt.f32.s32 v12;
	v12 =	vld.idx.msk [tilespmem:v2+s2+$0x0], $0xffff;
	v0 =	vadd.f32 $8.000000000e+00, v0  }
0x44: {  	s29 =	smul.u32 $0x1400, s31;
	s30 =	sshll.u32 s1, $0x6;
	s23 =	sshll.u32 s1, $0x9;
	v20 =	vmul.f32 $1.279375000e+02, v20;
	v10 =	vmin.f32 v10, $8.000000000e+00;
	v4 =	vsub.f32 v4, v6;
	v13 =	vld.idx.msk [tilespmem:v13+s2+$0x0], $0xffff  }
0x45: {  	s31 =	sand.u32 $0x380, s28;
	s23 =	sand.u32 $0x1C00, s23;
	s22 =	sand.u32 $0x40, s30;
	v10 =	vadd.f32 $8.000000000e+00, v10;
	v15 =	vsub.f32 v3, v8;
	v8 =	vld [tilespmem:s21+$0x800];
	v16 =	vmul.f32 $1.279375000e+02, v0  }
0x46: {  	s1 =	sadd.s32 s23, s29;
	s20 =	sor.u32 s22, s31;
	v2 =	vcvt.s32.f32 v2;
	vm14 =	vlt.s32 v5, $0x7FE;
	v4 =	vmul.f32 v1, v4  }
0x47: {  	s20 =	sor.u32 s1, s20;
	v0 =	vnsel vm14, $0x7FE, v5;
	v1 =	vmul.f32 $1.279375000e+02, v10;
	v5 =	vtrunc.f32 v16  }
0x48: {  	v27 =	vtrunc.f32 v20;
	v4 =	vadd.f32 v4, v6;
	v6 =	vld [tilespmem:s20+$0x800];
	v5 =	vcvt.f32.s32 v5  }
0x49: {  	v2 =	vsub.f32 v9, v2;
	v17 =	vtrunc.f32 v1;
	v9 =	vsub.f32 v13, v12;
	v13 =	vld [tilespmem:s25+$0x830]  }
0x4a: {  	v8 =	vmax.f32 v8, $-8.000000000e+00;
	v17 =	vcvt.f32.s32 v17;
	vm15 =	vlt.s32 v5, $0x7FE  }
0x4b: {  	v18 =	vld [tilespmem:s20+$0x810];
	v2 =	vmul.f32 v2, v9;
	v9 =	vnsel vm15, $0x7FE, v5;
	v5 =	vmin.f32 v8, $8.000000000e+00  }
0x4c: {  	v10 =	vcvt.s32.f32 v0;
	v19 =	vadd.s32 $0x1, v9;
	v5 =	vadd.f32 $8.000000000e+00, v5  }
0x4d: {  	vm4 =	vlt.s32 v17, $0x7FE;
	v6 =	vmax.f32 v6, $-8.000000000e+00;
	v2 =	vadd.f32 v2, v12  }
0x4e: {  	v6 =	vmin.f32 v6, $8.000000000e+00;
	v12 =	vmul.f32 $1.279375000e+02, v5;
	v5 =	vmax.f32 v13, $-8.000000000e+00  }
0x4f: {  	v8 =	vnsel vm4, $0x7FE, v17;
	[tilespmem:s25+$0x4410] =	vst v2;
	v2 =	vadd.f32 $8.000000000e+00, v6;
	v5 =	vmin.f32 v5, $8.000000000e+00  }
0x50: {  	v6 =	vmax.f32 v18, $-8.000000000e+00;
	v13 =	vld.idx.msk [tilespmem:v9+s2+$0x0], $0xffff;
	v17 =	vtrunc.f32 v12;
	v18 =	vadd.f32 $8.000000000e+00, v5  }
0x51: {  	v6 =	vmin.f32 v6, $8.000000000e+00;
	v19 =	vld.idx.msk [tilespmem:v19+s2+$0x0], $0xffff;
	v2 =	vmul.f32 $1.279375000e+02, v2;
	v17 =	vcvt.f32.s32 v17  }
0x52: {  	v5 =	vsub.f32 v7, v10;
	v9 =	vcvt.s32.f32 v9;
	v7 =	vmul.f32 $1.279375000e+02, v18  }
0x53: {  	v6 =	vadd.f32 $8.000000000e+00, v6;
	v18 =	vtrunc.f32 v2;
	vm5 =	vlt.s32 v17, $0x7FE  }
0x54: {  	[tilespmem:s19+$0x4400] =	vst v4;
	v4 =	vld [tilespmem:s20+$0x820];
	v17 =	vnsel vm5, $0x7FE, v17;
	v21 =	vtrunc.f32 v7;
	v18 =	vcvt.f32.s32 v18  }
0x55: {  	v6 =	vmul.f32 $1.279375000e+02, v6;
	v22 =	vadd.s32 $0x1, v17;
	v21 =	vcvt.f32.s32 v21  }
0x56: {  	v11 =	vld.idx.msk [tilespmem:v11+s2+$0x0], $0xffff;
	v9 =	vsub.f32 v16, v9;
	v16 =	vsub.f32 v19, v13;
	vm6 =	vlt.s32 v18, $0x7FE  }
0x57: {  	v14 =	vld.idx.msk [tilespmem:v14+s2+$0x0], $0xffff;
	v23 =	vtrunc.f32 v6;
	vm1 =	vlt.s32 v21, $0x7FE;
	v18 =	vnsel vm6, $0x7FE, v18  }
0x58: {  	v19 =	vcvt.f32.s32 v23;
	v9 =	vmul.f32 v9, v16;
	v16 =	vnsel vm1, $0x7FE, v21;
	v21 =	vld [tilespmem:s20+$0x830]  }
0x59: {  	v4 =	vmax.f32 v4, $-8.000000000e+00;
	v25 =	vadd.s32 $0x1, v18;
	v24 =	vld.idx.msk [tilespmem:v17+s2+$0x0], $0xffff;
	v17 =	vcvt.s32.f32 v17  }
0x5a: {  	s24 =	simm.s32 $0x4;
	vm7 =	vlt.s32 v19, $0x7FE;
	v23 =	vadd.s32 $0x1, v16;
	v9 =	vadd.f32 v9, v13;
	v13 =	vld.idx.msk [tilespmem:v22+s2+$0x0], $0xffff  }
0x5b: {  	s10 =	smul.u32 $0x39, s24;
	s23 =	sor.u32 $0x1, s24;
	v4 =	vmin.f32 v4, $8.000000000e+00;
	v19 =	vnsel vm7, $0x7FE, v19;
	v12 =	vsub.f32 v12, v17;
	v17 =	vld [tilespmem:s21+$0x820]  }
0x5c: {  	s30 =	sand.u32 $0xFF, s23;
	v22 =	vcvt.s32.f32 v18;
	[tilespmem:s25+$0x4420] =	vst v9;
	v9 =	vsub.f32 v14, v11;
	v14 =	vcvt.s32.f32 v19;
	v18 =	vld.idx.msk [tilespmem:v18+s2+$0x0], $0xffff  }
0x5d: {  	s31 =	sshrl.u32 s10, $0x9;
	s26 =	smul.u32 $0x39, s30;
	v3 =	vadd.s32 $0x1, v0;
	v10 =	vadd.s32 $0x1, v8;
	v4 =	vadd.f32 $8.000000000e+00, v4;
	v26 =	vld.idx.msk [tilespmem:v16+s2+$0x0], $0xffff  }
0x5e: {  	s28 =	sand.u32 $0x7F, s31;
	v22 =	vsub.f32 v2, v22;
	v25 =	vld.idx.msk [tilespmem:v25+s2+$0x0], $0xffff;
	v2 =	vsub.f32 v6, v14;
	v6 =	vcvt.f32.s32 v27  }
0x5f: {  	s1 =	smul.u32 $0x9, s28;
	s30 =	sshrl.u32 s26, $0x9;
	v4 =	vmul.f32 $1.279375000e+02, v4;
	v23 =	vld.idx.msk [tilespmem:v23+s2+$0x0], $0xffff;
	v9 =	vmul.f32 v15, v9;
	v13 =	vsub.f32 v13, v24  }
0x60: {  	s31 =	sshrl.u32 s10, $0x2;
	s30 =	smul.u32 $0x9, s30;
	v14 =	vmax.f32 v21, $-8.000000000e+00;
	v15 =	vcvt.s32.f32 v16;
	vm8 =	vlt.s32 v6, $0x7FE  }
0x61: {  	s10 =	sshrl.u32 s28, $0x3;
	s31 =	sand.u32 $0x380, s31;
	v9 =	vadd.f32 v9, v11;
	v12 =	vmul.f32 v12, v13;
	v13 =	vnsel vm8, $0x7FE, v6  }
0x62: {  	s28 =	ssub.s32 $0x4, s1;
	s1 =	sshrl.u32 s26, $0xC;
	s23 =	ssub.s32 s23, s30;
	v14 =	vmin.f32 v14, $8.000000000e+00;
	v6 =	vtrunc.f32 v4;
	v16 =	vadd.s32 $0x1, v13  }
0x63: {  	s29 =	smul.u32 $0x1400, s1;
	s30 =	sshll.u32 s23, $0x6;
	s23 =	sshll.u32 s23, $0x9;
	v7 =	vsub.f32 v7, v15;
	v6 =	vcvt.f32.s32 v6;
	[tilespmem:s19+$0x4410] =	vst v9;
	v11 =	vadd.f32 v12, v24  }
0x64: {  	s10 =	smul.u32 $0x1400, s10;
	s26 =	sshrl.u32 s26, $0x2;
	s23 =	sand.u32 $0x1C00, s23;
	v9 =	vmax.f32 v17, $-8.000000000e+00;
	v15 =	vsub.f32 v25, v18;
	v12 =	vsub.f32 v23, v26;
	v3 =	vld.idx.msk [tilespmem:v3+s2+$0x0], $0xffff  }
0x65: {  	s26 =	sand.u32 $0x380, s26;
	s30 =	sand.u32 $0x40, s30;
	s23 =	sadd.s32 s23, s29;
	v9 =	vmin.f32 v9, $8.000000000e+00;
	vm9 =	vlt.s32 v6, $0x7FE;
	[tilespmem:s21+$0x4400] =	vst v11;
	v11 =	vld.idx.msk [tilespmem:v0+s2+$0x0], $0xffff;
	v0 =	vadd.f32 $8.000000000e+00, v14  }
0x66: {  	s29 =	sor.u32 s30, s26;
	s30 =	sshll.u32 s28, $0x6;
	s28 =	sshll.u32 s28, $0x9;
	v9 =	vadd.f32 $8.000000000e+00, v9;
	v7 =	vmul.f32 v7, v12;
	v14 =	vmul.f32 v22, v15;
	v12 =	vld.idx.msk [tilespmem:v13+s2+$0x0], $0xffff  }
0x67: {  	s22 =	sor.u32 s23, s29;
	s26 =	sand.u32 $0x40, s30;
	s28 =	sand.u32 $0x1C00, s28;
	v28 =	vadd.s32 $0x1, v19;
	v6 =	vnsel vm9, $0x7FE, v6;
	v15 =	vld.idx.msk [tilespmem:v16+s2+$0x0], $0xffff;
	v0 =	vmul.f32 $1.279375000e+02, v0  }
0x68: {  	s23 =	sor.u32 s26, s31;
	s1 =	sadd.s32 s28, s10;
	v17 =	vmul.f32 $1.279375000e+02, v9;
	v16 =	vcvt.s32.f32 v8;
	v9 =	vadd.f32 v14, v18;
	v14 =	vld [tilespmem:s22+$0x800]  }
0x69: {  	s23 =	sor.u32 s1, s23;
	v13 =	vcvt.s32.f32 v13;
	v22 =	vadd.f32 v7, v26;
	v18 =	vtrunc.f32 v0  }
0x6a: {  	v21 =	vld [tilespmem:s23+$0x800];
	v1 =	vsub.f32 v1, v16;
	v16 =	vtrunc.f32 v17;
	v18 =	vcvt.f32.s32 v18  }
0x6b: {  	v23 =	vld [tilespmem:s23+$0x810];
	v7 =	vcvt.s32.f32 v6;
	v16 =	vcvt.f32.s32 v16;
	v3 =	vsub.f32 v3, v11  }
0x6c: {  	v13 =	vsub.f32 v20, v13;
	v20 =	vld [tilespmem:s21+$0x830];
	[tilespmem:s20+$0x4400] =	vst v9;
	v15 =	vsub.f32 v15, v12;
	vm10 =	vlt.s32 v18, $0x7FE  }
0x6d: {  	v9 =	vld.idx.msk [tilespmem:v19+s2+$0x0], $0xffff;
	vm11 =	vlt.s32 v16, $0x7FE;
	v14 =	vmax.f32 v14, $-8.000000000e+00;
	v19 =	vmul.f32 v5, v3  }
0x6e: {  	v14 =	vmin.f32 v14, $8.000000000e+00;
	v3 =	vnsel vm10, $0x7FE, v18;
	v13 =	vmul.f32 v13, v15  }
0x6f: {  	v18 =	vmax.f32 v21, $-8.000000000e+00;
	v15 =	vnsel vm11, $0x7FE, v16;
	v14 =	vadd.f32 $8.000000000e+00, v14  }
0x70: {  	v24 =	vld [tilespmem:s23+$0x820];
	v21 =	vadd.f32 v19, v11;
	v16 =	vadd.s32 $0x1, v15;
	v12 =	vadd.f32 v13, v12  }
0x71: {  	v11 =	vmin.f32 v18, $8.000000000e+00;
	v13 =	vld.idx.msk [tilespmem:v28+s2+$0x0], $0xffff;
	v18 =	vmul.f32 $1.279375000e+02, v14;
	v14 =	vmax.f32 v20, $-8.000000000e+00  }
0x72: {  	v11 =	vadd.f32 $8.000000000e+00, v11;
	v14 =	vmin.f32 v14, $8.000000000e+00;
	[tilespmem:s21+$0x4410] =	vst v12;
	v12 =	vmax.f32 v23, $-8.000000000e+00  }
0x73: {  	v19 =	vtrunc.f32 v18;
	v14 =	vadd.f32 $8.000000000e+00, v14;
	v12 =	vmin.f32 v12, $8.000000000e+00  }
0x74: {  	v28 =	vmul.f32 $1.279375000e+02, v11;
	v23 =	vld.idx.msk [tilespmem:v15+s2+$0x0], $0xffff;
	v25 =	vcvt.f32.s32 v19;
	v12 =	vadd.f32 $8.000000000e+00, v12  }
0x75: {  	v26 =	vmax.f32 v24, $-8.000000000e+00;
	v16 =	vld.idx.msk [tilespmem:v16+s2+$0x0], $0xffff;
	v11 =	vmul.f32 $1.279375000e+02, v14;
	v14 =	vcvt.s32.f32 v15  }
0x76: {  	v19 =	vsub.f32 v13, v9;
	v13 =	vtrunc.f32 v28;
	v20 =	vmul.f32 $1.279375000e+02, v12  }
0x77: {  	vm12 =	vlt.s32 v25, $0x7FE;
	v12 =	vld [tilespmem:s22+$0x810];
	v15 =	vtrunc.f32 v11;
	v13 =	vcvt.f32.s32 v13  }
0x78: {  	v24 =	vnsel vm12, $0x7FE, v25;
	v14 =	vsub.f32 v17, v14;
	v15 =	vcvt.f32.s32 v15  }
0x79: {  	v27 =	vadd.s32 $0x1, v24;
	v25 =	vtrunc.f32 v20;
	vm13 =	vlt.s32 v13, $0x7FE  }
0x7a: {  	v17 =	vsub.f32 v16, v23;
	v29 =	vcvt.f32.s32 v25;
	vm14 =	vlt.s32 v15, $0x7FE  }
0x7b: {  	v4 =	vsub.f32 v4, v7;
	[tilespmem:s19+$0x4420] =	vst v21;
	v25 =	vnsel vm13, $0x7FE, v13;
	v15 =	vnsel vm14, $0x7FE, v15  }
0x7c: {  	v8 =	vld.idx.msk [tilespmem:v8+s2+$0x0], $0xffff;
	v12 =	vmax.f32 v12, $-8.000000000e+00;
	v14 =	vmul.f32 v14, v17;
	vm15 =	vlt.s32 v29, $0x7FE  }
0x7d: {  	v16 =	vld [tilespmem:s23+$0x830];
	v21 =	vadd.s32 $0x1, v15;
	v12 =	vmin.f32 v12, $8.000000000e+00;
	v17 =	vnsel vm15, $0x7FE, v29  }
0x7e: {  	v29 =	vadd.s32 $0x1, v25;
	v27 =	vld.idx.msk [tilespmem:v27+s2+$0x0], $0xffff;
	v12 =	vadd.f32 $8.000000000e+00, v12;
	v13 =	vadd.f32 v14, v23  }
0x7f: {  	v7 =	vadd.s32 $0x1, v6;
	v30 =	vcvt.s32.f32 v25;
	v23 =	vld.idx.msk [tilespmem:v24+s2+$0x0], $0xffff;
	v14 =	vmin.f32 v26, $8.000000000e+00  }
0x80: {  	v5 =	vadd.s32 $0x1, v3;
	v10 =	vld.idx.msk [tilespmem:v10+s2+$0x0], $0xffff;
	v26 =	vadd.f32 $8.000000000e+00, v14;
	v14 =	vmul.f32 $1.279375000e+02, v12;
	[tilespmem:s21+$0x4420] =	vst v13  }
0x81: {  	[tilespmem:s25+$0x4430] =	vst v22;
	v22 =	vsub.f32 v28, v30;
	v28 =	vcvt.s32.f32 v17;
	v13 =	vadd.s32 $0x1, v17;
	v12 =	vld.idx.msk [tilespmem:v15+s2+$0x0], $0xffff  }
.LBB2_2:
0x82: {  	s24 =	sadd.s32 $0x2, s24;
	v16 =	vmax.f32 v16, $-8.000000000e+00;
	v24 =	vcvt.s32.f32 v24;
	v30 =	vtrunc.f32 v14;
	v21 =	vld.idx.msk [tilespmem:v21+s2+$0x0], $0xffff  }
0x83: {  	v26 =	vmul.f32 $1.279375000e+02, v26;
	s1 =	smul.u32 $0x39, s24;
	s26 =	sor.u32 $0x1, s24;
	v29 =	vld.idx.msk [tilespmem:v29+s2+$0x0], $0xffff;
	v20 =	vsub.f32 v20, v28;
	v28 =	vcvt.f32.s32 v30  }
0x84: {  	v19 =	vmul.f32 v2, v19;
	s25 =	sand.u32 $0xFF, s26;
	v25 =	vld.idx.msk [tilespmem:v25+s2+$0x0], $0xffff;
	v18 =	vsub.f32 v18, v24;
	v24 =	vsub.f32 v27, v23  }
0x85: {  	v15 =	vcvt.s32.f32 v15;
	v27 =	vtrunc.f32 v26;
	s28 =	sshrl.u32 s1, $0x9;
	s1 =	sshrl.u32 s1, $0x2;
	s29 =	smul.u32 $0x39, s25;
	vm0 =	vlt.s32 v28, $0x7FE;
	v30 =	vld [tilespmem:s22+$0x820];
	v2 =	vmovc v20  }
0x86: {  	p1 =	slt.u32 s24, $0x8E;
	v20 =	vcvt.f32.s32 v27;
	s28 =	sand.u32 $0x7F, s28;
	s25 =	sand.u32 $0x380, s1;
	v18 =	vmul.f32 v18, v24;
	v24 =	vnsel vm0, $0x7FE, v28  }
0x87: {  	v9 =	vadd.f32 v19, v9;
	v11 =	vsub.f32 v11, v15;
	s1 =	smul.u32 $0x9, s28;
	s28 =	sshrl.u32 s28, $0x3;
	s30 =	sshrl.u32 s29, $0x9;
	v27 =	vadd.s32 $0x1, v24  }
0x88: {  	vm0 =	vlt.s32 v20, $0x7FE;
	s30 =	smul.u32 $0x9, s30;
	v15 =	vadd.f32 v18, v23;
	v18 =	vsub.f32 v21, v12  }
0x89: {  	v16 =	vmin.f32 v16, $8.000000000e+00;
	s28 =	smul.u32 $0x1400, s28;
	v19 =	vnsel vm0, $0x7FE, v20;
	s1 =	ssub.s32 s24, s1;
	[tilespmem:s20+$0x4410] =	vst v9;
	v9 =	vcvt.s32.f32 v3  }
0x8a: {  	v20 =	vsub.f32 v29, v25;
	s26 =	ssub.s32 s26, s30;
	s30 =	sshrl.u32 s29, $0xC;
	s29 =	sshrl.u32 s29, $0x2;
	[tilespmem:s22+$0x4400] =	vst v15;
	v15 =	vmax.f32 v30, $-8.000000000e+00;
	v21 =	vld.idx.msk [tilespmem:v6+s2+$0x0], $0xffff;
	v11 =	vmul.f32 v11, v18  }
0x8b: {  	v16 =	vadd.f32 $8.000000000e+00, v16;
	v18 =	vadd.s32 $0x1, v19;
	v6 =	vmovc v19;
	s31 =	sshll.u32 s26, $0x6;
	s30 =	smul.u32 $0x1400, s30;
	s26 =	sshll.u32 s26, $0x9;
	v23 =	vld.idx.msk [tilespmem:v24+s2+$0x0], $0xffff;
	v15 =	vmin.f32 v15, $8.000000000e+00  }
0x8c: {  	s29 =	sand.u32 $0x380, s29;
	v19 =	vmul.f32 v22, v20;
	s31 =	sand.u32 $0x40, s31;
	s26 =	sand.u32 $0x1C00, s26;
	v20 =	vld.idx.msk [tilespmem:v27+s2+$0x0], $0xffff;
	v15 =	vadd.f32 $8.000000000e+00, v15;
	v11 =	vadd.f32 v11, v12  }
0x8d: {  	v10 =	vsub.f32 v10, v8;
	v16 =	vmul.f32 $1.279375000e+02, v16;
	s10 =	sshll.u32 s1, $0x6;
	v12 =	vcvt.s32.f32 v6;
	s26 =	sadd.s32 s26, s30;
	s29 =	sor.u32 s31, s29;
	v22 =	vld.idx.msk [tilespmem:v7+s2+$0x0], $0xffff;
	v7 =	vmovc v18  }
0x8e: {  	s1 =	sshll.u32 s1, $0x9;
	s10 =	sand.u32 $0x40, s10;
	v9 =	vsub.f32 v0, v9;
	v18 =	vadd.f32 v19, v25;
	s26 =	sor.u32 s26, s29;
	v15 =	vmul.f32 $1.279375000e+02, v15;
	[tilespmem:s21+$0x4430] =	vst v11  }
0x8f: {  	v10 =	vmul.f32 v1, v10;
	s1 =	sand.u32 $0x1C00, s1;
	v0 =	vmovc v16;
	s10 =	sor.u32 s10, s25;
	v19 =	vtrunc.f32 v16;
	v12 =	vsub.f32 v26, v12;
	s21 =	smov.u32 s22;
	v11 =	vld [tilespmem:s26+$0x800]  }
0x90: {  	s1 =	sadd.s32 s1, s28;
	v16 =	vcvt.s32.f32 v24;
	v1 =	vmov v9;
	s22 =	smov.u32 s26;
	[tilespmem:s23+$0x4400] =	vst v18;
	v18 =	vtrunc.f32 v15  }
0x91: {  	v8 =	vadd.f32 v10, v8;
	s1 =	sor.u32 s1, s10;
	v9 =	vld.idx.msk [tilespmem:v17+s2+$0x0], $0xffff;
	v17 =	vcvt.f32.s32 v19;
	v18 =	vcvt.f32.s32 v18  }
0x92: {  	v14 =	vsub.f32 v14, v16;
	v16 =	vsub.f32 v20, v23;
	v10 =	vld [tilespmem:s1+$0x800]  }
0x93: {  	v20 =	vsub.f32 v22, v21;
	vm0 =	vlt.s32 v17, $0x7FE;
	vm1 =	vlt.s32 v18, $0x7FE;
	v19 =	vld [tilespmem:s21+$0x830];
	[tilespmem:s19+$0x4430] =	vst v8;
	s19 =	smov.u32 s20;
	s20 =	smov.u32 s23;
	s23 =	smov.u32 s1  }
0x94: {  	v14 =	vmul.f32 v14, v16;
	v8 =	vld [tilespmem:s23+$0x810];
	v11 =	vmax.f32 v11, $-8.000000000e+00;
	v22 =	vnsel vm1, $0x7FE, v18  }
0x95: {  	v18 =	vmul.f32 v4, v20;
	v4 =	vmovc v12;
	v24 =	vld [tilespmem:s23+$0x820];
	v11 =	vmin.f32 v11, $8.000000000e+00;
	v25 =	vadd.s32 $0x1, v22  }
0x96: {  	v14 =	vadd.f32 v14, v23;
	v11 =	vadd.f32 $8.000000000e+00, v11;
	v12 =	vld.idx.msk [tilespmem:v13+s2+$0x0], $0xffff;
	v13 =	vnsel vm0, $0x7FE, v17  }
0x97: {  	v20 =	vadd.f32 v18, v21;
	v10 =	vmax.f32 v10, $-8.000000000e+00;
	v16 =	vld [tilespmem:s23+$0x830];
	v17 =	vadd.s32 $0x1, v13  }
0x98: {  	v10 =	vmin.f32 v10, $8.000000000e+00;
	v18 =	vmul.f32 $1.279375000e+02, v11;
	[tilespmem:s21+$0x4410] =	vst v14;
	v11 =	vmax.f32 v19, $-8.000000000e+00  }
0x99: {  	v10 =	vadd.f32 $8.000000000e+00, v10;
	v8 =	vmax.f32 v8, $-8.000000000e+00;
	v14 =	vld.idx.msk [tilespmem:v22+s2+$0x0], $0xffff;
	v11 =	vmin.f32 v11, $8.000000000e+00;
	[tilespmem:s19+$0x4420] =	vst v20  }
0x9a: {  	v8 =	vmin.f32 v8, $8.000000000e+00;
	v19 =	vtrunc.f32 v18;
	v21 =	vld.idx.msk [tilespmem:v25+s2+$0x0], $0xffff;
	v11 =	vadd.f32 $8.000000000e+00, v11  }
0x9b: {  	v28 =	vmul.f32 $1.279375000e+02, v10;
	v20 =	vadd.f32 $8.000000000e+00, v8;
	v23 =	vcvt.f32.s32 v19;
	v8 =	vld.idx.msk [tilespmem:v3+s2+$0x0], $0xffff;
	v3 =	vmovc v13  }
0x9c: {  	v13 =	vmax.f32 v24, $-8.000000000e+00;
	v19 =	vsub.f32 v12, v9;
	v11 =	vmul.f32 $1.279375000e+02, v11;
	v10 =	vld.idx.msk [tilespmem:v5+s2+$0x0], $0xffff;
	v5 =	vmovc v17  }
0x9d: {  	v12 =	vtrunc.f32 v28;
	v20 =	vmul.f32 $1.279375000e+02, v20;
	vm0 =	vlt.s32 v23, $0x7FE;
	v17 =	vld [tilespmem:s22+$0x810]  }
0x9e: {  	v22 =	vcvt.s32.f32 v22;
	v24 =	vnsel vm0, $0x7FE, v23;
	v23 =	vtrunc.f32 v11  }
0x9f: {  	v12 =	vcvt.f32.s32 v12;
	v26 =	vadd.s32 $0x1, v24;
	v23 =	vcvt.f32.s32 v23  }
0xa0: {  	v15 =	vsub.f32 v15, v22;
	v25 =	vtrunc.f32 v20;
	v21 =	vsub.f32 v21, v14  }
0xa1: {  	vm0 =	vlt.s32 v12, $0x7FE;
	v22 =	vcvt.f32.s32 v25;
	vm1 =	vlt.s32 v23, $0x7FE  }
0xa2: {  	v30 =	vmul.f32 v15, v21;
	v17 =	vmax.f32 v17, $-8.000000000e+00;
	v15 =	vnsel vm1, $0x7FE, v23  }
.Ltmp0:
0xa3: {  	v25 =	vnsel vm0, $0x7FE, v12;
	v23 =	vld.idx.msk [tilespmem:v24+s2+$0x0], $0xffff;
	v12 =	vmin.f32 v17, $8.000000000e+00;
	v21 =	vadd.s32 $0x1, v15;
	(pc) =	sbr.rel @p1 .LBB2_2-.Ltmp0, $4  }
0xa4: {  	v29 =	vadd.s32 $0x1, v25;
	v30 =	vadd.f32 v30, v14;
	v27 =	vld.idx.msk [tilespmem:v26+s2+$0x0], $0xffff;
	v12 =	vadd.f32 $8.000000000e+00, v12  }
0xa5: {  	v13 =	vmin.f32 v13, $8.000000000e+00;
	v31 =	vcvt.s32.f32 v25;
	vm0 =	vlt.s32 v22, $0x7FE  }
0xa6: {  	v17 =	vnsel vm0, $0x7FE, v22;
	v26 =	vadd.f32 $8.000000000e+00, v13;
	v14 =	vmul.f32 $1.279375000e+02, v12;
	[tilespmem:s21+$0x4420] =	vst v30  }
0xa7: {  	v22 =	vsub.f32 v28, v31;
	v28 =	vcvt.s32.f32 v17;
	v13 =	vadd.s32 $0x1, v17;
	v12 =	vld.idx.msk [tilespmem:v15+s2+$0x0], $0xffff  }
0xa8: {  	_ =	sdelay $0x3  }
0xa9: {  	v29 =	vld.idx.msk [tilespmem:v29+s2+$0x0], $0xffff  }
0xaa: {  	v25 =	vld.idx.msk [tilespmem:v25+s2+$0x0], $0xffff  }
0xab: {  	v24 =	vcvt.s32.f32 v24;
	v30 =	vtrunc.f32 v14  }
0xac: {  	v30 =	vcvt.f32.s32 v30  }
0xad: {  	v18 =	vsub.f32 v18, v24;
	v24 =	vsub.f32 v27, v23;
	v27 =	vld [tilespmem:s22+$0x820]  }
0xae: {  	vm0 =	vlt.s32 v30, $0x7FE  }
0xaf: {  	v18 =	vmul.f32 v18, v24;
	v24 =	vnsel vm0, $0x7FE, v30;
	v29 =	vsub.f32 v29, v25  }
0xb0: {  	v30 =	vadd.s32 $0x1, v24  }
0xb1: {  	v18 =	vadd.f32 v18, v23;
	v22 =	vmul.f32 v22, v29  }
0xb2: {  	v23 =	vmax.f32 v27, $-8.000000000e+00  }
0xb3: {  	[tilespmem:s22+$0x4400] =	vst v18;
	v18 =	vmin.f32 v23, $8.000000000e+00;
	v22 =	vadd.f32 v22, v25  }
0xb4: {  	v23 =	vld.idx.msk [tilespmem:v24+s2+$0x0], $0xffff;
	v18 =	vadd.f32 $8.000000000e+00, v18  }
0xb5: {  	v25 =	vld.idx.msk [tilespmem:v30+s2+$0x0], $0xffff;
	[tilespmem:s23+$0x4400] =	vst v22  }
0xb6: {  	v18 =	vmul.f32 $1.279375000e+02, v18;
	v17 =	vld.idx.msk [tilespmem:v17+s2+$0x0], $0xffff  }
0xb7: {  	v24 =	vcvt.s32.f32 v24;
	v13 =	vld.idx.msk [tilespmem:v13+s2+$0x0], $0xffff  }
0xb8: {  	v22 =	vmul.f32 $1.279375000e+02, v26;
	v26 =	vtrunc.f32 v18  }
0xb9: {  	v2 =	vmul.f32 v2, v19;
	v20 =	vsub.f32 v20, v28;
	v19 =	vcvt.f32.s32 v26  }
0xba: {  	v14 =	vsub.f32 v14, v24;
	v26 =	vtrunc.f32 v22;
	v24 =	vsub.f32 v25, v23;
	v25 =	vld [tilespmem:s22+$0x830]  }
0xbb: {  	v2 =	vadd.f32 v2, v9;
	v26 =	vcvt.f32.s32 v26;
	vm6 =	vlt.s32 v19, $0x7FE  }
0xbc: {  	v9 =	vmul.f32 v14, v24;
	v14 =	vnsel vm6, $0x7FE, v19;
	v13 =	vsub.f32 v13, v17  }
0xbd: {  	[tilespmem:s20+$0x4410] =	vst v2;
	vm7 =	vlt.s32 v26, $0x7FE;
	v2 =	vadd.s32 $0x1, v14  }
0xbe: {  	v6 =	vld.idx.msk [tilespmem:v6+s2+$0x0], $0xffff;
	v19 =	vnsel vm7, $0x7FE, v26;
	v9 =	vadd.f32 v9, v23;
	v13 =	vmul.f32 v20, v13  }
0xbf: {  	v7 =	vld.idx.msk [tilespmem:v7+s2+$0x0], $0xffff;
	v20 =	vadd.s32 $0x1, v19;
	v23 =	vmax.f32 v25, $-8.000000000e+00  }
0xc0: {  	v16 =	vmax.f32 v16, $-8.000000000e+00;
	[tilespmem:s22+$0x4410] =	vst v9;
	v9 =	vmin.f32 v23, $8.000000000e+00;
	v13 =	vadd.f32 v13, v17  }
0xc1: {  	v16 =	vmin.f32 v16, $8.000000000e+00;
	v17 =	vld.idx.msk [tilespmem:v14+s2+$0x0], $0xffff;
	v9 =	vadd.f32 $8.000000000e+00, v9  }
0xc2: {  	v16 =	vadd.f32 $8.000000000e+00, v16;
	v2 =	vld.idx.msk [tilespmem:v2+s2+$0x0], $0xffff;
	[tilespmem:s23+$0x4410] =	vst v13  }
0xc3: {  	v9 =	vmul.f32 $1.279375000e+02, v9;
	v13 =	vld.idx.msk [tilespmem:v19+s2+$0x0], $0xffff  }
0xc4: {  	v16 =	vmul.f32 $1.279375000e+02, v16;
	v7 =	vsub.f32 v7, v6;
	v14 =	vcvt.s32.f32 v14;
	v20 =	vld.idx.msk [tilespmem:v20+s2+$0x0], $0xffff  }
0xc5: {  	v19 =	vcvt.s32.f32 v19;
	v23 =	vtrunc.f32 v9  }
0xc6: {  	v4 =	vmul.f32 v4, v7;
	v14 =	vsub.f32 v18, v14;
	v7 =	vcvt.f32.s32 v23  }
0xc7: {  	v19 =	vsub.f32 v22, v19;
	v22 =	vtrunc.f32 v16;
	v2 =	vsub.f32 v2, v17  }
0xc8: {  	v4 =	vadd.f32 v4, v6;
	v18 =	vcvt.f32.s32 v22;
	vm8 =	vlt.s32 v7, $0x7FE  }
0xc9: {  	v2 =	vmul.f32 v14, v2;
	v6 =	vnsel vm8, $0x7FE, v7;
	v7 =	vsub.f32 v20, v13  }
0xca: {  	vm9 =	vlt.s32 v18, $0x7FE;
	v14 =	vld.idx.msk [tilespmem:v21+s2+$0x0], $0xffff;
	v20 =	vadd.s32 $0x1, v6  }
0xcb: {  	[tilespmem:s20+$0x4420] =	vst v4;
	v18 =	vnsel vm9, $0x7FE, v18;
	v2 =	vadd.f32 v2, v17;
	v4 =	vmul.f32 v19, v7  }
0xcc: {  	v5 =	vld.idx.msk [tilespmem:v5+s2+$0x0], $0xffff;
	v7 =	vadd.s32 $0x1, v18  }
0xcd: {  	v17 =	vld.idx.msk [tilespmem:v3+s2+$0x0], $0xffff;
	[tilespmem:s22+$0x4420] =	vst v2;
	v2 =	vadd.f32 v4, v13  }
0xce: {  	v15 =	vcvt.s32.f32 v15;
	v10 =	vsub.f32 v10, v8;
	v4 =	vld.idx.msk [tilespmem:v6+s2+$0x0], $0xffff  }
0xcf: {  	v13 =	vsub.f32 v14, v12;
	v14 =	vld.idx.msk [tilespmem:v20+s2+$0x0], $0xffff;
	[tilespmem:s23+$0x4420] =	vst v2  }
0xd0: {  	v11 =	vsub.f32 v11, v15;
	v1 =	vmul.f32 v1, v10;
	v3 =	vcvt.s32.f32 v3;
	v2 =	vld.idx.msk [tilespmem:v18+s2+$0x0], $0xffff  }
0xd1: {  	v6 =	vcvt.s32.f32 v6;
	v7 =	vld.idx.msk [tilespmem:v7+s2+$0x0], $0xffff  }
0xd2: {  	v1 =	vadd.f32 v1, v8;
	v0 =	vsub.f32 v0, v3;
	v11 =	vmul.f32 v11, v13  }
0xd3: {  	s1 =	simm.s32 $0x0;
	v6 =	vsub.f32 v9, v6;
	v3 =	vsub.f32 v5, v17  }
0xd4: {  	s10 =	sor.u32 $0x1, s1;
	v11 =	vadd.f32 v11, v12;
	v12 =	vcvt.s32.f32 v18;
	v9 =	vsub.f32 v14, v4  }
0xd5: {  	s26 =	sand.u32 $0xFF, s10;
	v0 =	vmul.f32 v0, v3  }
0xd6: {  	[tilespmem:s19+$0x4430] =	vst v1;
	s19 =	smul.u32 $0x39, s26;
	v7 =	vsub.f32 v7, v2;
	v5 =	vmul.f32 v6, v9;
	v6 =	vsub.f32 v16, v12  }
0xd7: {  	v0 =	vadd.f32 v0, v17  }
0xd8: {  	s1 =	smul.u32 $0x39, s1;
	s28 =	sshrl.u32 s19, $0x9;
	v3 =	vadd.f32 v5, v4;
	v4 =	vmul.f32 v6, v7  }
0xd9: {  	[tilespmem:s20+$0x4430] =	vst v0;
	s20 =	smul.u32 $0x9, s28  }
0xda: {  	s29 =	sshrl.u32 s19, $0xC;
	s19 =	sshrl.u32 s19, $0x2;
	[tilespmem:s21+$0x4430] =	vst v11;
	v1 =	vadd.f32 v4, v2  }
0xdb: {  	s31 =	sshrl.u32 s1, $0x9;
	s19 =	sand.u32 $0x380, s19;
	s10 =	ssub.s32 s10, s20;
	[tilespmem:s22+$0x4430] =	vst v3  }
0xdc: {  	s20 =	smul.u32 $0x1400, s29;
	s30 =	sshll.u32 s10, $0x6;
	s10 =	sshll.u32 s10, $0x9;
	[tilespmem:s23+$0x4430] =	vst v1  }
0xdd: {  	[hbm4b:s7+s2] =	stream.linear.scatter [tilespmem:s14], [sflag:$0x3], $0x2800, $0x38;
	[tilespmem:$0x8080] =	vst v63  }
0xde: {  	s21 =	sand.u32 $0x40, s30;
	s10 =	sand.u32 $0x1C00, s10;
	_ =	swait.ge [sflag:s15], $0x1400  }
0xdf: {  	s10 =	sadd.s32 s10, s20;
	s19 =	sor.u32 s21, s19;
	[sflag:s15] =	ssyncset.done $0x0  }
0xe0: {  	s21 =	sand.u32 $0x7F, s31;
	s25 =	sor.u32 s19, s10;
	[sflag:s15] =	ssyncadd.s32 $0xFFFFEC00  }
0xe1: {  	s22 =	smul.u32 $0x9, s21;
	v0 =	vld [tilespmem:s25+$0x3000];
	_ =	sdelay $0x1  }
0xe2: {  	s1 =	sshrl.u32 s1, $0x2;
	s23 =	sshrl.u32 s21, $0x3;
	s10 =	ssub.s32 $0x0, s22  }
0xe3: {  	s19 =	smul.u32 $0x1400, s23;
	s24 =	sshll.u32 s10, $0x6;
	s10 =	sshll.u32 s10, $0x9  }
0xe4: {  	s1 =	sand.u32 $0x380, s1;
	s20 =	sand.u32 $0x40, s24;
	s10 =	sand.u32 $0x1C00, s10  }
0xe5: {  	s1 =	sor.u32 s20, s1;
	s10 =	sadd.s32 s10, s19;
	v0 =	vmax.f32 v0, $-8.000000000e+00  }
0xe6: {  	s19 =	sor.u32 s1, s10;
	v0 =	vmin.f32 v0, $8.000000000e+00  }
0xe7: {  	v1 =	vld [tilespmem:s19+$0x3000];
	v0 =	vadd.f32 $8.000000000e+00, v0;
	_ =	sdelay $0x1  }
0xe8: {  	v0 =	vmul.f32 $1.279375000e+02, v0;
	_ =	sdelay $0x1  }
0xe9: {  	s26 =	simm.s32 $0x2;
	v2 =	vtrunc.f32 v0  }
0xea: {  	v3 =	vld [tilespmem:s25+$0x3010];
	s1 =	sor.u32 $0x1, s26;
	v1 =	vmax.f32 v1, $-8.000000000e+00;
	v2 =	vcvt.f32.s32 v2  }
0xeb: {  	v4 =	vld [tilespmem:s19+$0x3010];
	s29 =	sand.u32 $0xFF, s1;
	v1 =	vmin.f32 v1, $8.000000000e+00  }
0xec: {  	s20 =	smul.u32 $0x39, s29;
	v1 =	vadd.f32 $8.000000000e+00, v1;
	vm10 =	vlt.s32 v2, $0x7FE  }
0xed: {  	v2 =	vnsel vm10, $0x7FE, v2  }
0xee: {  	s24 =	sshrl.u32 s20, $0x9;
	v1 =	vmul.f32 $1.279375000e+02, v1;
	v5 =	vadd.s32 $0x1, v2  }
0xef: {  	v3 =	vmax.f32 v3, $-8.000000000e+00;
	s23 =	smul.u32 $0x9, s24  }
0xf0: {  	s28 =	smul.u32 $0x39, s26;
	v7 =	vld [tilespmem:s19+$0x3020];
	v3 =	vmin.f32 v3, $8.000000000e+00;
	v4 =	vmax.f32 v4, $-8.000000000e+00;
	v6 =	vtrunc.f32 v1  }
0xf1: {  	s26 =	sshrl.u32 s20, $0xC;
	s20 =	sshrl.u32 s20, $0x2;
	v3 =	vadd.f32 $8.000000000e+00, v3;
	v4 =	vmin.f32 v4, $8.000000000e+00;
	s1 =	ssub.s32 s1, s23;
	v6 =	vcvt.f32.s32 v6  }
0xf2: {  	s23 =	smul.u32 $0x1400, s26;
	v4 =	vadd.f32 $8.000000000e+00, v4;
	s24 =	sshll.u32 s1, $0x6;
	s1 =	sshll.u32 s1, $0x9;
	v8 =	vld.idx.msk [tilespmem:v2+s2+$0x0], $0xffff  }
0xf3: {  	s20 =	sand.u32 $0x380, s20;
	v9 =	vmul.f32 $1.279375000e+02, v3;
	s24 =	sand.u32 $0x40, s24;
	s1 =	sand.u32 $0x1C00, s1;
	vm11 =	vlt.s32 v6, $0x7FE;
	v5 =	vld.idx.msk [tilespmem:v5+s2+$0x0], $0xffff  }
0xf4: {  	v3 =	vmul.f32 $1.279375000e+02, v4;
	s1 =	sadd.s32 s1, s23;
	s20 =	sor.u32 s24, s20;
	v6 =	vnsel vm11, $0x7FE, v6  }
0xf5: {  	v7 =	vmax.f32 v7, $-8.000000000e+00;
	v10 =	vtrunc.f32 v9;
	s20 =	sor.u32 s20, s1;
	v4 =	vadd.s32 $0x1, v6  }
0xf6: {  	v7 =	vmin.f32 v7, $8.000000000e+00;
	v11 =	vtrunc.f32 v3;
	v20 =	vld [tilespmem:s20+$0x3010];
	v2 =	vcvt.s32.f32 v2  }
0xf7: {  	v7 =	vadd.f32 $8.000000000e+00, v7;
	v10 =	vcvt.f32.s32 v10;
	v11 =	vcvt.f32.s32 v11  }
0xf8: {  	v0 =	vsub.f32 v0, v2;
	v2 =	vsub.f32 v5, v8;
	v5 =	vld [tilespmem:s25+$0x3020]  }
0xf9: {  	v12 =	vld [tilespmem:s19+$0x3030];
	v7 =	vmul.f32 $1.279375000e+02, v7;
	vm12 =	vlt.s32 v10, $0x7FE;
	vm13 =	vlt.s32 v11, $0x7FE  }
0xfa: {  	v11 =	vnsel vm13, $0x7FE, v11;
	v4 =	vld.idx.msk [tilespmem:v4+s2+$0x0], $0xffff;
	v0 =	vmul.f32 v0, v2;
	v2 =	vnsel vm12, $0x7FE, v10  }
0xfb: {  	s30 =	sshrl.u32 s28, $0x9;
	v20 =	vmax.f32 v20, $-8.000000000e+00;
	v10 =	vcvt.s32.f32 v6;
	v6 =	vld.idx.msk [tilespmem:v6+s2+$0x0], $0xffff;
	v13 =	vadd.s32 $0x1, v2  }
0xfc: {  	s21 =	sand.u32 $0x7F, s30;
	v14 =	vadd.s32 $0x1, v11;
	v20 =	vmin.f32 v20, $8.000000000e+00;
	v0 =	vadd.f32 v0, v8  }
0xfd: {  	s31 =	smul.u32 $0x9, s21;
	v20 =	vadd.f32 $8.000000000e+00, v20;
	v1 =	vsub.f32 v1, v10;
	v5 =	vmax.f32 v5, $-8.000000000e+00  }
0xfe: {  	s21 =	sshrl.u32 s21, $0x3;
	v10 =	vmax.f32 v12, $-8.000000000e+00;
	v12 =	vtrunc.f32 v7;
	[tilespmem:s25+$0x6C00] =	vst v0;
	v0 =	vmin.f32 v5, $8.000000000e+00  }
0xff: {  	s21 =	smul.u32 $0x1400, s21;
	s22 =	ssub.s32 $0x2, s31;
	v8 =	vcvt.s32.f32 v11;
	v5 =	vcvt.f32.s32 v12;
	v12 =	vld.idx.msk [tilespmem:v2+s2+$0x0], $0xffff;
	v0 =	vadd.f32 $8.000000000e+00, v0  }
0x100: {  	s10 =	sshrl.u32 s28, $0x2;
	s28 =	sshll.u32 s22, $0x6;
	s22 =	sshll.u32 s22, $0x9;
	v20 =	vmul.f32 $1.279375000e+02, v20;
	v10 =	vmin.f32 v10, $8.000000000e+00;
	v4 =	vsub.f32 v4, v6;
	v13 =	vld.idx.msk [tilespmem:v13+s2+$0x0], $0xffff  }
0x101: {  	s30 =	sand.u32 $0x40, s28;
	s22 =	sand.u32 $0x1C00, s22;
	s29 =	sand.u32 $0x380, s10;
	v10 =	vadd.f32 $8.000000000e+00, v10;
	v15 =	vsub.f32 v3, v8;
	v8 =	vld [tilespmem:s20+$0x3000];
	v16 =	vmul.f32 $1.279375000e+02, v0  }
0x102: {  	s31 =	sadd.s32 s22, s21;
	s1 =	sor.u32 s30, s29;
	v2 =	vcvt.s32.f32 v2;
	vm14 =	vlt.s32 v5, $0x7FE;
	v4 =	vmul.f32 v1, v4  }
0x103: {  	s21 =	sor.u32 s1, s31;
	v0 =	vnsel vm14, $0x7FE, v5;
	v1 =	vmul.f32 $1.279375000e+02, v10;
	v5 =	vtrunc.f32 v16  }
0x104: {  	v2 =	vsub.f32 v9, v2;
	v4 =	vadd.f32 v4, v6;
	v6 =	vld [tilespmem:s21+$0x3000];
	v5 =	vcvt.f32.s32 v5  }
0x105: {  	v10 =	vcvt.s32.f32 v0;
	v17 =	vtrunc.f32 v1;
	v9 =	vsub.f32 v13, v12;
	v13 =	vld [tilespmem:s25+$0x3030]  }
0x106: {  	v8 =	vmax.f32 v8, $-8.000000000e+00;
	v17 =	vcvt.f32.s32 v17;
	[tilespmem:s19+$0x6C00] =	vst v4;
	v4 =	vld [tilespmem:s21+$0x3020];
	vm15 =	vlt.s32 v5, $0x7FE  }
0x107: {  	v18 =	vld [tilespmem:s21+$0x3010];
	v2 =	vmul.f32 v2, v9;
	v9 =	vnsel vm15, $0x7FE, v5;
	v5 =	vmin.f32 v8, $8.000000000e+00  }
0x108: {  	vm4 =	vlt.s32 v17, $0x7FE;
	v19 =	vadd.s32 $0x1, v9;
	v5 =	vadd.f32 $8.000000000e+00, v5  }
0x109: {  	v8 =	vnsel vm4, $0x7FE, v17;
	v6 =	vmax.f32 v6, $-8.000000000e+00;
	v2 =	vadd.f32 v2, v12  }
0x10a: {  	v6 =	vmin.f32 v6, $8.000000000e+00;
	v12 =	vmul.f32 $1.279375000e+02, v5;
	v5 =	vmax.f32 v13, $-8.000000000e+00  }
0x10b: {  	v4 =	vmax.f32 v4, $-8.000000000e+00;
	[tilespmem:s25+$0x6C10] =	vst v2;
	v2 =	vadd.f32 $8.000000000e+00, v6;
	v5 =	vmin.f32 v5, $8.000000000e+00  }
0x10c: {  	v6 =	vmax.f32 v18, $-8.000000000e+00;
	v13 =	vld.idx.msk [tilespmem:v9+s2+$0x0], $0xffff;
	v17 =	vtrunc.f32 v12;
	v18 =	vadd.f32 $8.000000000e+00, v5  }
0x10d: {  	v6 =	vmin.f32 v6, $8.000000000e+00;
	v19 =	vld.idx.msk [tilespmem:v19+s2+$0x0], $0xffff;
	v2 =	vmul.f32 $1.279375000e+02, v2;
	v17 =	vcvt.f32.s32 v17  }
0x10e: {  	v5 =	vsub.f32 v7, v10;
	v9 =	vcvt.s32.f32 v9;
	v7 =	vmul.f32 $1.279375000e+02, v18  }
0x10f: {  	v6 =	vadd.f32 $8.000000000e+00, v6;
	v18 =	vtrunc.f32 v2;
	vm5 =	vlt.s32 v17, $0x7FE  }
0x110: {  	v17 =	vnsel vm5, $0x7FE, v17;
	v21 =	vtrunc.f32 v7;
	v18 =	vcvt.f32.s32 v18  }
0x111: {  	v6 =	vmul.f32 $1.279375000e+02, v6;
	v22 =	vadd.s32 $0x1, v17;
	v21 =	vcvt.f32.s32 v21  }
0x112: {  	s24 =	simm.s32 $0x4;
	v11 =	vld.idx.msk [tilespmem:v11+s2+$0x0], $0xffff;
	v9 =	vsub.f32 v16, v9;
	v16 =	vsub.f32 v19, v13;
	vm6 =	vlt.s32 v18, $0x7FE  }
0x113: {  	s31 =	sor.u32 $0x1, s24;
	v14 =	vld.idx.msk [tilespmem:v14+s2+$0x0], $0xffff;
	v23 =	vtrunc.f32 v6;
	vm1 =	vlt.s32 v21, $0x7FE;
	v18 =	vnsel vm6, $0x7FE, v18  }
0x114: {  	s10 =	smul.u32 $0x39, s24;
	s29 =	sand.u32 $0xFF, s31;
	v19 =	vcvt.f32.s32 v23;
	v9 =	vmul.f32 v9, v16;
	v16 =	vnsel vm1, $0x7FE, v21;
	v21 =	vld [tilespmem:s21+$0x3030]  }
0x115: {  	s22 =	smul.u32 $0x39, s29;
	v4 =	vmin.f32 v4, $8.000000000e+00;
	v25 =	vadd.s32 $0x1, v18;
	v24 =	vld.idx.msk [tilespmem:v17+s2+$0x0], $0xffff;
	v17 =	vcvt.s32.f32 v17  }
0x116: {  	vm7 =	vlt.s32 v19, $0x7FE;
	v23 =	vadd.s32 $0x1, v16;
	v9 =	vadd.f32 v9, v13;
	v13 =	vld.idx.msk [tilespmem:v22+s2+$0x0], $0xffff  }
0x117: {  	s30 =	sshrl.u32 s10, $0x9;
	s28 =	sshrl.u32 s22, $0x9;
	v4 =	vadd.f32 $8.000000000e+00, v4;
	v19 =	vnsel vm7, $0x7FE, v19;
	v12 =	vsub.f32 v12, v17;
	v17 =	vld [tilespmem:s20+$0x3020]  }
0x118: {  	s23 =	sand.u32 $0x7F, s30;
	s28 =	smul.u32 $0x9, s28;
	v22 =	vcvt.s32.f32 v18;
	[tilespmem:s25+$0x6C20] =	vst v9;
	v9 =	vsub.f32 v14, v11;
	v14 =	vcvt.s32.f32 v19;
	v18 =	vld.idx.msk [tilespmem:v18+s2+$0x0], $0xffff  }
0x119: {  	s26 =	smul.u32 $0x9, s23;
	s23 =	sshrl.u32 s23, $0x3;
	v27 =	vtrunc.f32 v20;
	v3 =	vadd.s32 $0x1, v0;
	v4 =	vmul.f32 $1.279375000e+02, v4;
	v26 =	vld.idx.msk [tilespmem:v16+s2+$0x0], $0xffff  }
0x11a: {  	s1 =	sshrl.u32 s10, $0x2;
	s23 =	smul.u32 $0x1400, s23;
	s10 =	ssub.s32 s31, s28;
	v22 =	vsub.f32 v2, v22;
	v25 =	vld.idx.msk [tilespmem:v25+s2+$0x0], $0xffff;
	v2 =	vsub.f32 v6, v14;
	v6 =	vcvt.f32.s32 v27  }
0x11b: {  	s31 =	sshrl.u32 s22, $0xC;
	s22 =	sshrl.u32 s22, $0x2;
	s29 =	sshll.u32 s10, $0x6;
	v10 =	vadd.s32 $0x1, v8;
	v23 =	vld.idx.msk [tilespmem:v23+s2+$0x0], $0xffff;
	v9 =	vmul.f32 v15, v9;
	v15 =	vcvt.s32.f32 v16  }
0x11c: {  	s26 =	ssub.s32 $0x4, s26;
	s22 =	sand.u32 $0x380, s22;
	s29 =	sand.u32 $0x40, s29;
	v28 =	vadd.s32 $0x1, v19;
	v14 =	vmax.f32 v21, $-8.000000000e+00;
	v13 =	vsub.f32 v13, v24  }
0x11d: {  	s22 =	sor.u32 s29, s22;
	s29 =	sshll.u32 s26, $0x6;
	s26 =	sshll.u32 s26, $0x9;
	vm8 =	vlt.s32 v6, $0x7FE;
	v9 =	vadd.f32 v9, v11;
	v7 =	vsub.f32 v7, v15  }
0x11e: {  	s1 =	sand.u32 $0x380, s1;
	s30 =	sand.u32 $0x40, s29;
	s26 =	sand.u32 $0x1C00, s26;
	v12 =	vmul.f32 v12, v13;
	v13 =	vnsel vm8, $0x7FE, v6;
	v6 =	vtrunc.f32 v4  }
0x11f: {  	s28 =	smul.u32 $0x1400, s31;
	s1 =	sor.u32 s30, s1;
	s31 =	sadd.s32 s26, s23;
	v16 =	vadd.s32 $0x1, v13;
	[tilespmem:s19+$0x6C10] =	vst v9;
	v9 =	vmax.f32 v17, $-8.000000000e+00;
	v15 =	vsub.f32 v25, v18  }
0x120: {  	s23 =	sor.u32 s1, s31;
	v11 =	vadd.f32 v12, v24;
	v12 =	vsub.f32 v23, v26;
	v9 =	vmin.f32 v9, $8.000000000e+00;
	v3 =	vld.idx.msk [tilespmem:v3+s2+$0x0], $0xffff  }
0x121: {  	s10 =	sshll.u32 s10, $0x9;
	v14 =	vmin.f32 v14, $8.000000000e+00;
	v6 =	vcvt.f32.s32 v6;
	v24 =	vld [tilespmem:s23+$0x3020];
	v9 =	vadd.f32 $8.000000000e+00, v9  }
0x122: {  	s10 =	sand.u32 $0x1C00, s10;
	[tilespmem:s20+$0x6C00] =	vst v11;
	v11 =	vld.idx.msk [tilespmem:v0+s2+$0x0], $0xffff;
	v0 =	vadd.f32 $8.000000000e+00, v14;
	v7 =	vmul.f32 v7, v12;
	v14 =	vmul.f32 v22, v15  }
0x123: {  	s10 =	sadd.s32 s10, s28;
	vm9 =	vlt.s32 v6, $0x7FE;
	v12 =	vld.idx.msk [tilespmem:v13+s2+$0x0], $0xffff;
	v17 =	vmul.f32 $1.279375000e+02, v9;
	v13 =	vcvt.s32.f32 v13  }
0x124: {  	s22 =	sor.u32 s22, s10;
	v6 =	vnsel vm9, $0x7FE, v6;
	v15 =	vld.idx.msk [tilespmem:v16+s2+$0x0], $0xffff;
	v0 =	vmul.f32 $1.279375000e+02, v0;
	v16 =	vcvt.s32.f32 v8  }
0x125: {  	v22 =	vadd.f32 v7, v26;
	v7 =	vcvt.s32.f32 v6;
	v9 =	vadd.f32 v14, v18;
	v14 =	vld [tilespmem:s22+$0x3000]  }
0x126: {  	v13 =	vsub.f32 v20, v13;
	v26 =	vmax.f32 v24, $-8.000000000e+00;
	v18 =	vtrunc.f32 v0  }
0x127: {  	v21 =	vld [tilespmem:s23+$0x3000];
	v1 =	vsub.f32 v1, v16;
	v16 =	vtrunc.f32 v17;
	v18 =	vcvt.f32.s32 v18  }
0x128: {  	v23 =	vld [tilespmem:s23+$0x3010];
	v4 =	vsub.f32 v4, v7;
	v16 =	vcvt.f32.s32 v16;
	v3 =	vsub.f32 v3, v11  }
0x129: {  	v20 =	vld [tilespmem:s20+$0x3030];
	v7 =	vadd.s32 $0x1, v6;
	[tilespmem:s21+$0x6C00] =	vst v9;
	v15 =	vsub.f32 v15, v12;
	vm10 =	vlt.s32 v18, $0x7FE  }
0x12a: {  	v9 =	vld.idx.msk [tilespmem:v19+s2+$0x0], $0xffff;
	vm11 =	vlt.s32 v16, $0x7FE;
	v14 =	vmax.f32 v14, $-8.000000000e+00;
	v19 =	vmul.f32 v5, v3  }
0x12b: {  	v14 =	vmin.f32 v14, $8.000000000e+00;
	v13 =	vmul.f32 v13, v15;
	v15 =	vnsel vm11, $0x7FE, v16  }
0x12c: {  	v3 =	vnsel vm10, $0x7FE, v18;
	v14 =	vadd.f32 $8.000000000e+00, v14;
	v16 =	vadd.s32 $0x1, v15  }
0x12d: {  	v18 =	vmax.f32 v21, $-8.000000000e+00;
	v21 =	vadd.f32 v19, v11;
	v12 =	vadd.f32 v13, v12  }
0x12e: {  	v11 =	vmin.f32 v18, $8.000000000e+00;
	v13 =	vld.idx.msk [tilespmem:v28+s2+$0x0], $0xffff;
	v18 =	vmul.f32 $1.279375000e+02, v14;
	v14 =	vmax.f32 v20, $-8.000000000e+00  }
0x12f: {  	v11 =	vadd.f32 $8.000000000e+00, v11;
	v14 =	vmin.f32 v14, $8.000000000e+00;
	[tilespmem:s20+$0x6C10] =	vst v12;
	v12 =	vmax.f32 v23, $-8.000000000e+00  }
0x130: {  	v19 =	vtrunc.f32 v18;
	v14 =	vadd.f32 $8.000000000e+00, v14;
	v23 =	vld.idx.msk [tilespmem:v15+s2+$0x0], $0xffff;
	v12 =	vmin.f32 v12, $8.000000000e+00  }
0x131: {  	v28 =	vmul.f32 $1.279375000e+02, v11;
	v25 =	vcvt.f32.s32 v19;
	v16 =	vld.idx.msk [tilespmem:v16+s2+$0x0], $0xffff;
	v12 =	vadd.f32 $8.000000000e+00, v12  }
0x132: {  	v5 =	vadd.s32 $0x1, v3;
	v11 =	vmul.f32 $1.279375000e+02, v14;
	v14 =	vcvt.s32.f32 v15  }
0x133: {  	v19 =	vsub.f32 v13, v9;
	vm12 =	vlt.s32 v25, $0x7FE;
	v20 =	vmul.f32 $1.279375000e+02, v12;
	v12 =	vld [tilespmem:s22+$0x3010]  }
0x134: {  	v13 =	vtrunc.f32 v28;
	v24 =	vnsel vm12, $0x7FE, v25;
	v15 =	vtrunc.f32 v11  }
0x135: {  	v13 =	vcvt.f32.s32 v13;
	v27 =	vadd.s32 $0x1, v24;
	v15 =	vcvt.f32.s32 v15  }
0x136: {  	v14 =	vsub.f32 v17, v14;
	v25 =	vtrunc.f32 v20;
	v17 =	vsub.f32 v16, v23  }
0x137: {  	[tilespmem:s19+$0x6C20] =	vst v21;
	vm13 =	vlt.s32 v13, $0x7FE;
	v30 =	vcvt.f32.s32 v25;
	vm14 =	vlt.s32 v15, $0x7FE  }
0x138: {  	v8 =	vld.idx.msk [tilespmem:v8+s2+$0x0], $0xffff;
	v15 =	vnsel vm14, $0x7FE, v15;
	v12 =	vmax.f32 v12, $-8.000000000e+00;
	v14 =	vmul.f32 v14, v17  }
0x139: {  	v16 =	vld [tilespmem:s23+$0x3030];
	v25 =	vnsel vm13, $0x7FE, v13;
	v21 =	vadd.s32 $0x1, v15;
	v12 =	vmin.f32 v12, $8.000000000e+00  }
0x13a: {  	v29 =	vadd.s32 $0x1, v25;
	v27 =	vld.idx.msk [tilespmem:v27+s2+$0x0], $0xffff;
	v12 =	vadd.f32 $8.000000000e+00, v12;
	v13 =	vadd.f32 v14, v23  }
0x13b: {  	v31 =	vcvt.s32.f32 v25;
	vm15 =	vlt.s32 v30, $0x7FE;
	v23 =	vld.idx.msk [tilespmem:v24+s2+$0x0], $0xffff;
	v14 =	vmin.f32 v26, $8.000000000e+00  }
0x13c: {  	v10 =	vld.idx.msk [tilespmem:v10+s2+$0x0], $0xffff;
	v17 =	vnsel vm15, $0x7FE, v30;
	v26 =	vadd.f32 $8.000000000e+00, v14;
	v14 =	vmul.f32 $1.279375000e+02, v12;
	[tilespmem:s20+$0x6C20] =	vst v13  }
0x13d: {  	[tilespmem:s25+$0x6C30] =	vst v22;
	v22 =	vsub.f32 v28, v31;
	v28 =	vcvt.s32.f32 v17;
	v13 =	vadd.s32 $0x1, v17;
	v12 =	vld.idx.msk [tilespmem:v15+s2+$0x0], $0xffff  }
.LBB2_4:
0x13e: {  	s24 =	sadd.s32 $0x2, s24;
	v16 =	vmax.f32 v16, $-8.000000000e+00;
	v24 =	vcvt.s32.f32 v24;
	v30 =	vtrunc.f32 v14;
	v21 =	vld.idx.msk [tilespmem:v21+s2+$0x0], $0xffff  }
0x13f: {  	v26 =	vmul.f32 $1.279375000e+02, v26;
	s1 =	smul.u32 $0x39, s24;
	s10 =	sor.u32 $0x1, s24;
	v29 =	vld.idx.msk [tilespmem:v29+s2+$0x0], $0xffff;
	v20 =	vsub.f32 v20, v28;
	v28 =	vcvt.f32.s32 v30  }
0x140: {  	v19 =	vmul.f32 v2, v19;
	s25 =	sand.u32 $0xFF, s10;
	v25 =	vld.idx.msk [tilespmem:v25+s2+$0x0], $0xffff;
	v18 =	vsub.f32 v18, v24;
	v24 =	vsub.f32 v27, v23  }
0x141: {  	v15 =	vcvt.s32.f32 v15;
	v27 =	vtrunc.f32 v26;
	s26 =	sshrl.u32 s1, $0x9;
	s1 =	sshrl.u32 s1, $0x2;
	s28 =	smul.u32 $0x39, s25;
	vm0 =	vlt.s32 v28, $0x7FE;
	v30 =	vld [tilespmem:s22+$0x3020];
	v2 =	vmovc v20  }
0x142: {  	p1 =	slt.u32 s24, $0x46;
	v20 =	vcvt.f32.s32 v27;
	s26 =	sand.u32 $0x7F, s26;
	s25 =	sand.u32 $0x380, s1;
	v18 =	vmul.f32 v18, v24;
	v24 =	vnsel vm0, $0x7FE, v28  }
0x143: {  	v9 =	vadd.f32 v19, v9;
	v11 =	vsub.f32 v11, v15;
	s1 =	smul.u32 $0x9, s26;
	s26 =	sshrl.u32 s26, $0x3;
	s29 =	sshrl.u32 s28, $0x9;
	v27 =	vadd.s32 $0x1, v24  }
0x144: {  	vm0 =	vlt.s32 v20, $0x7FE;
	s29 =	smul.u32 $0x9, s29;
	v15 =	vadd.f32 v18, v23;
	v18 =	vsub.f32 v21, v12  }
0x145: {  	v16 =	vmin.f32 v16, $8.000000000e+00;
	s26 =	smul.u32 $0x1400, s26;
	v19 =	vnsel vm0, $0x7FE, v20;
	s1 =	ssub.s32 s24, s1;
	[tilespmem:s21+$0x6C10] =	vst v9;
	v9 =	vcvt.s32.f32 v3  }
0x146: {  	v20 =	vsub.f32 v29, v25;
	s10 =	ssub.s32 s10, s29;
	s29 =	sshrl.u32 s28, $0xC;
	s28 =	sshrl.u32 s28, $0x2;
	[tilespmem:s22+$0x6C00] =	vst v15;
	v15 =	vmax.f32 v30, $-8.000000000e+00;
	v21 =	vld.idx.msk [tilespmem:v6+s2+$0x0], $0xffff;
	v11 =	vmul.f32 v11, v18  }
0x147: {  	v16 =	vadd.f32 $8.000000000e+00, v16;
	v18 =	vadd.s32 $0x1, v19;
	v6 =	vmovc v19;
	s30 =	sshll.u32 s10, $0x6;
	s29 =	smul.u32 $0x1400, s29;
	s10 =	sshll.u32 s10, $0x9;
	v23 =	vld.idx.msk [tilespmem:v24+s2+$0x0], $0xffff;
	v15 =	vmin.f32 v15, $8.000000000e+00  }
0x148: {  	s28 =	sand.u32 $0x380, s28;
	v19 =	vmul.f32 v22, v20;
	s30 =	sand.u32 $0x40, s30;
	s10 =	sand.u32 $0x1C00, s10;
	v20 =	vld.idx.msk [tilespmem:v27+s2+$0x0], $0xffff;
	v15 =	vadd.f32 $8.000000000e+00, v15;
	v11 =	vadd.f32 v11, v12  }
0x149: {  	v10 =	vsub.f32 v10, v8;
	v16 =	vmul.f32 $1.279375000e+02, v16;
	s31 =	sshll.u32 s1, $0x6;
	v12 =	vcvt.s32.f32 v6;
	s10 =	sadd.s32 s10, s29;
	s28 =	sor.u32 s30, s28;
	v22 =	vld.idx.msk [tilespmem:v7+s2+$0x0], $0xffff;
	v7 =	vmovc v18  }
0x14a: {  	s1 =	sshll.u32 s1, $0x9;
	v9 =	vsub.f32 v0, v9;
	s29 =	sand.u32 $0x40, s31;
	v18 =	vadd.f32 v19, v25;
	s10 =	sor.u32 s28, s10;
	v15 =	vmul.f32 $1.279375000e+02, v15;
	[tilespmem:s20+$0x6C30] =	vst v11  }
0x14b: {  	v10 =	vmul.f32 v1, v10;
	s1 =	sand.u32 $0x1C00, s1;
	v0 =	vmovc v16;
	v19 =	vtrunc.f32 v16;
	s25 =	sor.u32 s29, s25;
	v12 =	vsub.f32 v26, v12;
	s20 =	smov.u32 s22;
	v11 =	vld [tilespmem:s10+$0x3000]  }
0x14c: {  	s1 =	sadd.s32 s1, s26;
	v16 =	vcvt.s32.f32 v24;
	v1 =	vmov v9;
	s22 =	smov.u32 s10;
	[tilespmem:s23+$0x6C00] =	vst v18;
	v18 =	vtrunc.f32 v15  }
0x14d: {  	v8 =	vadd.f32 v10, v8;
	s1 =	sor.u32 s25, s1;
	v9 =	vld.idx.msk [tilespmem:v17+s2+$0x0], $0xffff;
	v17 =	vcvt.f32.s32 v19;
	v18 =	vcvt.f32.s32 v18  }
0x14e: {  	v14 =	vsub.f32 v14, v16;
	v16 =	vsub.f32 v20, v23;
	v10 =	vld [tilespmem:s1+$0x3000]  }
0x14f: {  	v20 =	vsub.f32 v22, v21;
	vm0 =	vlt.s32 v17, $0x7FE;
	vm1 =	vlt.s32 v18, $0x7FE;
	v19 =	vld [tilespmem:s20+$0x3030];
	[tilespmem:s19+$0x6C30] =	vst v8;
	s19 =	smov.u32 s21;
	s21 =	smov.u32 s23;
	s23 =	smov.u32 s1  }
0x150: {  	v14 =	vmul.f32 v14, v16;
	v8 =	vld [tilespmem:s23+$0x3010];
	v11 =	vmax.f32 v11, $-8.000000000e+00;
	v22 =	vnsel vm1, $0x7FE, v18  }
0x151: {  	v18 =	vmul.f32 v4, v20;
	v4 =	vmovc v12;
	v24 =	vld [tilespmem:s23+$0x3020];
	v11 =	vmin.f32 v11, $8.000000000e+00;
	v25 =	vadd.s32 $0x1, v22  }
0x152: {  	v14 =	vadd.f32 v14, v23;
	v11 =	vadd.f32 $8.000000000e+00, v11;
	v12 =	vld.idx.msk [tilespmem:v13+s2+$0x0], $0xffff;
	v13 =	vnsel vm0, $0x7FE, v17  }
0x153: {  	v20 =	vadd.f32 v18, v21;
	v10 =	vmax.f32 v10, $-8.000000000e+00;
	v16 =	vld [tilespmem:s23+$0x3030];
	v17 =	vadd.s32 $0x1, v13  }
0x154: {  	v10 =	vmin.f32 v10, $8.000000000e+00;
	v18 =	vmul.f32 $1.279375000e+02, v11;
	[tilespmem:s20+$0x6C10] =	vst v14;
	v11 =	vmax.f32 v19, $-8.000000000e+00  }
0x155: {  	v10 =	vadd.f32 $8.000000000e+00, v10;
	v8 =	vmax.f32 v8, $-8.000000000e+00;
	v14 =	vld.idx.msk [tilespmem:v22+s2+$0x0], $0xffff;
	v11 =	vmin.f32 v11, $8.000000000e+00;
	[tilespmem:s19+$0x6C20] =	vst v20  }
0x156: {  	v8 =	vmin.f32 v8, $8.000000000e+00;
	v19 =	vtrunc.f32 v18;
	v21 =	vld.idx.msk [tilespmem:v25+s2+$0x0], $0xffff;
	v11 =	vadd.f32 $8.000000000e+00, v11  }
0x157: {  	v28 =	vmul.f32 $1.279375000e+02, v10;
	v20 =	vadd.f32 $8.000000000e+00, v8;
	v23 =	vcvt.f32.s32 v19;
	v8 =	vld.idx.msk [tilespmem:v3+s2+$0x0], $0xffff;
	v3 =	vmovc v13  }
0x158: {  	v13 =	vmax.f32 v24, $-8.000000000e+00;
	v19 =	vsub.f32 v12, v9;
	v11 =	vmul.f32 $1.279375000e+02, v11;
	v10 =	vld.idx.msk [tilespmem:v5+s2+$0x0], $0xffff;
	v5 =	vmovc v17  }
0x159: {  	v12 =	vtrunc.f32 v28;
	v20 =	vmul.f32 $1.279375000e+02, v20;
	vm0 =	vlt.s32 v23, $0x7FE;
	v17 =	vld [tilespmem:s22+$0x3010]  }
0x15a: {  	v22 =	vcvt.s32.f32 v22;
	v24 =	vnsel vm0, $0x7FE, v23;
	v23 =	vtrunc.f32 v11  }
0x15b: {  	v12 =	vcvt.f32.s32 v12;
	v26 =	vadd.s32 $0x1, v24;
	v23 =	vcvt.f32.s32 v23  }
0x15c: {  	v15 =	vsub.f32 v15, v22;
	v25 =	vtrunc.f32 v20;
	v21 =	vsub.f32 v21, v14  }
0x15d: {  	vm0 =	vlt.s32 v12, $0x7FE;
	v22 =	vcvt.f32.s32 v25;
	vm1 =	vlt.s32 v23, $0x7FE  }
0x15e: {  	v30 =	vmul.f32 v15, v21;
	v17 =	vmax.f32 v17, $-8.000000000e+00;
	v15 =	vnsel vm1, $0x7FE, v23  }
.Ltmp1:
0x15f: {  	v25 =	vnsel vm0, $0x7FE, v12;
	v23 =	vld.idx.msk [tilespmem:v24+s2+$0x0], $0xffff;
	v12 =	vmin.f32 v17, $8.000000000e+00;
	v21 =	vadd.s32 $0x1, v15;
	(pc) =	sbr.rel @p1 .LBB2_4-.Ltmp1, $4  }
0x160: {  	v29 =	vadd.s32 $0x1, v25;
	v30 =	vadd.f32 v30, v14;
	v27 =	vld.idx.msk [tilespmem:v26+s2+$0x0], $0xffff;
	v12 =	vadd.f32 $8.000000000e+00, v12  }
0x161: {  	v13 =	vmin.f32 v13, $8.000000000e+00;
	v31 =	vcvt.s32.f32 v25;
	vm0 =	vlt.s32 v22, $0x7FE  }
0x162: {  	v17 =	vnsel vm0, $0x7FE, v22;
	v26 =	vadd.f32 $8.000000000e+00, v13;
	v14 =	vmul.f32 $1.279375000e+02, v12;
	[tilespmem:s20+$0x6C20] =	vst v30  }
0x163: {  	v22 =	vsub.f32 v28, v31;
	v28 =	vcvt.s32.f32 v17;
	v13 =	vadd.s32 $0x1, v17;
	v12 =	vld.idx.msk [tilespmem:v15+s2+$0x0], $0xffff  }
0x164: {  	_ =	sdelay $0x3  }
0x165: {  	v29 =	vld.idx.msk [tilespmem:v29+s2+$0x0], $0xffff  }
0x166: {  	v25 =	vld.idx.msk [tilespmem:v25+s2+$0x0], $0xffff  }
0x167: {  	v24 =	vcvt.s32.f32 v24;
	v30 =	vtrunc.f32 v14  }
0x168: {  	v30 =	vcvt.f32.s32 v30  }
0x169: {  	v55 =	vld [tilespmem:s22+$0x3020];
	v54 =	vsub.f32 v27, v23;
	v18 =	vsub.f32 v18, v24  }
0x16a: {  	vm0 =	vlt.s32 v30, $0x7FE  }
0x16b: {  	v18 =	vmul.f32 v18, v54;
	v56 =	vnsel vm0, $0x7FE, v30;
	v29 =	vsub.f32 v29, v25  }
0x16c: {  	v30 =	vadd.s32 $0x1, v56  }
0x16d: {  	v18 =	vadd.f32 v18, v23;
	v22 =	vmul.f32 v22, v29  }
0x16e: {  	v57 =	vmax.f32 v55, $-8.000000000e+00  }
0x16f: {  	v58 =	vmin.f32 v57, $8.000000000e+00;
	[tilespmem:s22+$0x6C00] =	vst v18;
	v22 =	vadd.f32 v22, v25  }
0x170: {  	v18 =	vadd.f32 $8.000000000e+00, v58;
	v59 =	vld.idx.msk [tilespmem:v56+s2+$0x0], $0xffff  }
0x171: {  	v60 =	vld.idx.msk [tilespmem:v30+s2+$0x0], $0xffff;
	[tilespmem:s23+$0x6C00] =	vst v22  }
0x172: {  	v18 =	vmul.f32 $1.279375000e+02, v18;
	v17 =	vld.idx.msk [tilespmem:v17+s2+$0x0], $0xffff  }
0x173: {  	v61 =	vmul.f32 $1.279375000e+02, v26;
	v13 =	vld.idx.msk [tilespmem:v13+s2+$0x0], $0xffff  }
0x174: {  	v24 =	vcvt.s32.f32 v56;
	v62 =	vtrunc.f32 v18  }
0x175: {  	v2 =	vmul.f32 v2, v19;
	v20 =	vsub.f32 v20, v28;
	v63 =	vcvt.f32.s32 v62  }
0x176: {  	v31 =	vld [tilespmem:s22+$0x3030];
	v28 =	vtrunc.f32 v61;
	v29 =	vsub.f32 v14, v24;
	v30 =	vsub.f32 v60, v59  }
0x177: {  	v2 =	vadd.f32 v2, v9;
	v26 =	vcvt.f32.s32 v28;
	vm12 =	vlt.s32 v63, $0x7FE  }
0x178: {  	v33 =	vnsel vm12, $0x7FE, v63;
	v32 =	vmul.f32 v29, v30;
	v13 =	vsub.f32 v13, v17  }
0x179: {  	v16 =	vmax.f32 v16, $-8.000000000e+00;
	[tilespmem:s21+$0x6C10] =	vst v2;
	vm13 =	vlt.s32 v26, $0x7FE;
	v34 =	vadd.s32 $0x1, v33  }
0x17a: {  	v6 =	vld.idx.msk [tilespmem:v6+s2+$0x0], $0xffff;
	v35 =	vnsel vm13, $0x7FE, v26;
	v9 =	vadd.f32 v32, v59;
	v13 =	vmul.f32 v20, v13  }
0x17b: {  	v16 =	vmin.f32 v16, $8.000000000e+00;
	v7 =	vld.idx.msk [tilespmem:v7+s2+$0x0], $0xffff;
	v37 =	vmax.f32 v31, $-8.000000000e+00;
	v36 =	vadd.s32 $0x1, v35  }
0x17c: {  	v16 =	vadd.f32 $8.000000000e+00, v16;
	v38 =	vmin.f32 v37, $8.000000000e+00;
	[tilespmem:s22+$0x6C10] =	vst v9;
	v13 =	vadd.f32 v13, v17  }
0x17d: {  	v9 =	vadd.f32 $8.000000000e+00, v38;
	v39 =	vld.idx.msk [tilespmem:v33+s2+$0x0], $0xffff  }
0x17e: {  	v16 =	vmul.f32 $1.279375000e+02, v16;
	v2 =	vld.idx.msk [tilespmem:v34+s2+$0x0], $0xffff;
	[tilespmem:s23+$0x6C10] =	vst v13  }
0x17f: {  	v9 =	vmul.f32 $1.279375000e+02, v9;
	v13 =	vld.idx.msk [tilespmem:v35+s2+$0x0], $0xffff  }
0x180: {  	v42 =	vtrunc.f32 v16;
	v19 =	vcvt.s32.f32 v35;
	v7 =	vsub.f32 v7, v6;
	v20 =	vld.idx.msk [tilespmem:v36+s2+$0x0], $0xffff  }
0x181: {  	v14 =	vcvt.s32.f32 v33;
	v40 =	vtrunc.f32 v9  }
0x182: {  	v4 =	vmul.f32 v4, v7;
	v41 =	vcvt.f32.s32 v40  }
0x183: {  	v43 =	vcvt.f32.s32 v42;
	v14 =	vsub.f32 v18, v14;
	v2 =	vsub.f32 v2, v39  }
0x184: {  	v19 =	vsub.f32 v61, v19;
	v4 =	vadd.f32 v4, v6;
	vm14 =	vlt.s32 v41, $0x7FE  }
0x185: {  	v2 =	vmul.f32 v14, v2;
	v44 =	vnsel vm14, $0x7FE, v41;
	v45 =	vsub.f32 v20, v13  }
0x186: {  	vm15 =	vlt.s32 v43, $0x7FE;
	v47 =	vadd.s32 $0x1, v44  }
0x187: {  	v46 =	vld.idx.msk [tilespmem:v21+s2+$0x0], $0xffff;
	[tilespmem:s21+$0x6C20] =	vst v4;
	v18 =	vnsel vm15, $0x7FE, v43;
	v2 =	vadd.f32 v2, v39;
	v48 =	vmul.f32 v19, v45  }
0x188: {  	v50 =	vld.idx.msk [tilespmem:v3+s2+$0x0], $0xffff;
	v49 =	vadd.s32 $0x1, v18  }
0x189: {  	v5 =	vld.idx.msk [tilespmem:v5+s2+$0x0], $0xffff;
	[tilespmem:s22+$0x6C20] =	vst v2;
	v51 =	vadd.f32 v48, v13  }
0x18a: {  	v52 =	vld.idx.msk [tilespmem:v44+s2+$0x0], $0xffff  }
0x18b: {  	v10 =	vsub.f32 v10, v8;
	v54 =	vld.idx.msk [tilespmem:v47+s2+$0x0], $0xffff;
	[tilespmem:s23+$0x6C20] =	vst v51  }
0x18c: {  	v15 =	vcvt.s32.f32 v15;
	v2 =	vld.idx.msk [tilespmem:v18+s2+$0x0], $0xffff  }
0x18d: {  	v1 =	vmul.f32 v1, v10;
	v7 =	vld.idx.msk [tilespmem:v49+s2+$0x0], $0xffff  }
0x18e: {  	v11 =	vsub.f32 v11, v15;
	v55 =	vcvt.s32.f32 v3  }
0x18f: {  	v1 =	vadd.f32 v1, v8;
	v53 =	vsub.f32 v46, v12;
	v6 =	vcvt.s32.f32 v44  }
0x190: {  	v0 =	vsub.f32 v0, v55;
	v57 =	vcvt.s32.f32 v18;
	v58 =	vsub.f32 v5, v50  }
0x191: {  	v11 =	vmul.f32 v11, v53;
	v6 =	vsub.f32 v9, v6;
	v56 =	vsub.f32 v54, v52  }
0x192: {  	v60 =	vsub.f32 v16, v57;
	v0 =	vmul.f32 v0, v58;
	v7 =	vsub.f32 v7, v2  }
0x193: {  	v11 =	vadd.f32 v11, v12;
	v59 =	vmul.f32 v6, v56  }
0x194: {  	[tilespmem:s19+$0x6C30] =	vst v1;
	v0 =	vadd.f32 v0, v50;
	v62 =	vmul.f32 v60, v7  }
0x195: {  	[tilespmem:s20+$0x6C30] =	vst v11;
	v61 =	vadd.f32 v59, v52  }
0x196: {  	[tilespmem:s21+$0x6C30] =	vst v0;
	v63 =	vadd.f32 v62, v2  }
0x197: {  	[tilespmem:s22+$0x6C30] =	vst v61  }
0x198: {  	[tilespmem:s23+$0x6C30] =	vst v63  }
0x199: {  	s18 =	sadd.s32 $0x1, s18;
	_ =	swait.ge [sflag:s16], $0x2800  }
0x19a: {  	p1 =	sne.s32 s18, s9;
	[sflag:s16] =	ssyncset.done $0x0  }
.Ltmp2:
0x19b: {  	[sflag:s16] =	ssyncadd.s32 $0xFFFFD800;
	(pc) =	sbr.rel @p1 .LBB2_1-.Ltmp2, $4  }
0x19c: {  	[hbm4b:s8+s2] =	stream.linear.scatter [tilespmem:s17], [sflag:$0x4], $0x1400, $0x38;
	[tilespmem:$0x8080] =	vst v63  }
0x19d: {  	_ =	swait.ge [sflag:s13], $0x1400  }
0x19e: {  	[sflag:s13] =	ssyncset.done $0x0  }
0x19f: {  	[sflag:s13] =	ssyncadd.s32 $0xFFFFEC00  }
0x1a0: {  	_ =	sfence.sel $0x180000  }
0x1a1: {  	[bflag:$0x0] =	sbarrier.arrive $0xFFFF  }
0x1a2: {  	_ =	strace $0x90000047  }
0x1a3: {  	[bflag:$0x2] =	sbarrier.arrive $0xFFFF  }
0x1a4: {  	s0 =	rddreg [dreg:$0x4]  }
0x1a5: {  	s0 =	sadd.s32 @!p0 $0x100000, s0  }
0x1a6: {  	[sflag:s0] =	ssyncadd.tile.s32 @!p0 $0x1;
	_ =	shalt  }
.Lfunc_end2:
_tile_overlayer_lowered:
.L_overlay_start_2:
0x1a7: {  	(tag) =	ssettag $0x2  }
0x1a8: {  	s0 =	rddreg [dreg:$0x0];
	s2 =	stileid.u32  }
0x1a9: {  	s1 =	rddreg [dreg:$0x1];
	p0 =	sne.s32 s2, $0x0  }
0x1aa: {  	s3 =	rddreg [dreg:$0x2];
	[bflag:$0x3] =	sbarrier.arrive $0xFFFF;
	s2 =	simm.s32 @!p0 $0x1C04  }
0x1ab: {  	[timem:s3], [sflag:s2] =	dma.local @!p0 [hbm:s0], s1  }
0x1ac: {  	s0 =	simm.s32 @!p0 $0x4  }
0x1ad: {  	_ =	swait.ge @!p0 [sflag:s0], s1  }
0x1ae: {  	s1 =	ssub.s32 @!p0 $0x0, s1;
	[sflag:s0] =	ssyncset.done @!p0 $0x0  }
0x1af: {  	[sflag:s0] =	ssyncadd.s32 @!p0 s1  }
0x1b0: {  	[bflag:$0x3] =	sbarrier.arrive $0xFFFF  }
0x1b1: {  	_ =	shalt  }

</sc_bundles>
